<compile_context>
chip_gen: v7x
topology: tpu7x:2x2x1
jax: 0.10.2.dev20260603
libtpu: 0.0.44.dev20260713+nightly
codegen_flags: <defaults>
</compile_context>

<pallas_src>
import functools

import jax
import jax.numpy as jnp
from jax import lax
from jax.experimental import pallas as pl
from jax.experimental.pallas import tpu as pltpu
from jax.experimental.pallas import tpu_sc as plsc

B = 4096
L = 200
F = 48
NW = 32
ROWS_PER_W = B // NW
FULL_GROUPS = L // 16


def _feature_body(x_hbm, feat_hbm, x_v, f_v):
    nc = 2
    wid = lax.axis_index("s") * nc + lax.axis_index("c")
    row0 = wid * ROWS_PER_W

    pltpu.sync_copy(x_hbm.at[pl.ds(row0, ROWS_PER_W)], x_v)

    zeros16 = jnp.zeros((16,), jnp.float32)
    ones16 = jnp.ones((16,), jnp.float32)
    lane = lax.iota(jnp.int32, 16)
    tail_mask = lane >= 8

    @plsc.parallel_loop(0, ROWS_PER_W, unroll=2)
    def row_loop(r):
        rvec = jnp.full((16,), r, jnp.int32)
        for c in range(F // 16):
            f_v[r, pl.ds(c * 16, 16)] = zeros16
        for j in range(FULL_GROUPS):
            toks = x_v[r, pl.ds(j * 16, 16)]
            plsc.addupdate_scatter(f_v, [rvec, toks + 2], ones16)
        toks = x_v[r, pl.ds(L - 16, 16)]
        plsc.addupdate_scatter(f_v, [rvec, toks + 2], ones16, mask=tail_mask)

        v0 = f_v[r, pl.ds(0, 16)]
        v1 = f_v[r, pl.ds(16, 16)]
        v2 = f_v[r, pl.ds(32, 16)]
        u0 = plsc.all_reduce_population_count((v0 > 0.0) & (lane >= 3))
        u1 = plsc.all_reduce_population_count(v1 > 0.0)
        u2 = plsc.all_reduce_population_count((v2 > 0.0) & (lane <= 9))
        uniq = (u0 + u1 + u2).astype(jnp.float32)
        cnt0 = lax.reduce_sum_p.bind(
            jnp.where(lane == 2, v0, zeros16), axes=(0,))
        seqlen = jnp.full((16,), jnp.float32(L)) - cnt0
        out0 = jnp.where(lane == 0, seqlen,
                         jnp.where(lane == 1, uniq,
                                   jnp.where(lane == 2, zeros16, v0)))
        f_v[r, pl.ds(0, 16)] = out0

    pltpu.sync_copy(f_v, feat_hbm.at[pl.ds(row0, ROWS_PER_W)])


@functools.cache
def _features_sc():
    return pl.kernel(
        _feature_body,
        out_type=jax.ShapeDtypeStruct((B, F), jnp.float32),
        mesh=plsc.VectorSubcoreMesh(core_axis_name="c", subcore_axis_name="s",
                                    num_cores=2, num_subcores=16),
        scratch_types=[
            pltpu.VMEM((ROWS_PER_W, L), jnp.int32),
            pltpu.VMEM((ROWS_PER_W, F), jnp.float32),
        ],
        compiler_params=pltpu.CompilerParams(needs_layout_passes=False),
    )


def _mlp_body(f_ref, w1_ref, b1_ref, w2_ref, b2_ref, w3_ref, b3_ref, o_ref):
    f = f_ref[...]
    h = jnp.dot(f, w1_ref[...], preferred_element_type=jnp.float32)
    h = jnp.maximum(h + b1_ref[...], 0.0)
    h = jnp.dot(h, w2_ref[...], preferred_element_type=jnp.float32)
    h = jnp.maximum(h + b2_ref[...], 0.0)
    lg = jnp.dot(h, w3_ref[...], preferred_element_type=jnp.float32)
    lg = lg + b3_ref[...]
    col = lax.broadcasted_iota(jnp.int32, lg.shape, 1)
    valid = col < 3
    lg = jnp.where(valid, lg, -jnp.inf)
    m = jnp.max(lg, axis=1, keepdims=True)
    e = jnp.where(valid, jnp.exp(lg - m), 0.0)
    o_ref[...] = (e / jnp.sum(e, axis=1, keepdims=True))[:, :3].T


def _mlp_call(feats, w1p, b1, w2t, b2, w3p, b3):
    bm = 2048
    grid = (B // bm,)
    return pl.pallas_call(
        _mlp_body,
        grid=grid,
        in_specs=[
            pl.BlockSpec((bm, F), lambda i: (i, 0)),
            pl.BlockSpec((F, 128), lambda i: (0, 0)),
            pl.BlockSpec((1, 128), lambda i: (0, 0)),
            pl.BlockSpec((128, 64), lambda i: (0, 0)),
            pl.BlockSpec((1, 64), lambda i: (0, 0)),
            pl.BlockSpec((64, 8), lambda i: (0, 0)),
            pl.BlockSpec((1, 8), lambda i: (0, 0)),
        ],
        out_specs=pl.BlockSpec((3, bm), lambda i: (0, i)),
        out_shape=jax.ShapeDtypeStruct((3, B), jnp.float32),
    )(feats, w1p, b1, w2t, b2, w3p, b3)


def kernel(x, W1, b1, W2, b2, W3, b3):
    feats = _features_sc()(x)

    w1p = jnp.pad(W1.T, ((0, F - 42), (0, 0)))
    w3p = jnp.pad(W3.T, ((0, 0), (0, 5)))
    b3p = jnp.pad(b3, (0, 5))
    return _mlp_call(feats, w1p, b1.reshape(1, 128), W2.T, b2.reshape(1, 64),
                     w3p, b3p.reshape(1, 8)).T

# --- scband reference (transcript-rebuilt; emitter-appended) ---
"""Pipeline reference for scband-gating-network-19885698581126 (READ-ONLY COPY).

The authoritative reference and input builder live on the scoring server;
editing this copy changes nothing except your own understanding.
"""

import jax, jax.numpy as jnp
import numpy as np


def setup_inputs(seed: int = 0) -> dict:
    key = jax.random.key(seed)
    ks = jax.random.split(key, 8)
    B, L = 4096, 200
    x = jax.random.randint(ks[0], (B, L), 0, 40, dtype=jnp.int32)
    W1 = jax.random.normal(ks[1], (128, 42), dtype=jnp.float32) * 0.05
    b1 = jnp.zeros((128,), dtype=jnp.float32)
    W2 = jax.random.normal(ks[2], (64, 128), dtype=jnp.float32) * 0.05
    b2 = jnp.zeros((64,), dtype=jnp.float32)
    W3 = jax.random.normal(ks[3], (3, 64), dtype=jnp.float32) * 0.05
    b3 = jnp.zeros((3,), dtype=jnp.float32)
    return {"x": x, "W1": W1, "b1": b1, "W2": W2, "b2": b2, "W3": W3, "b3": b3}


def reference(x, W1, b1, W2, b2, W3, b3):
    # histogram of token values per sample (40 bins), via one-hot scatter-add
    hist = jnp.sum(jax.nn.one_hot(x, 40, dtype=jnp.float32), axis=1)  # [B, 40]
    # char_freq: counts for nonzero chars only (bin 0 forced to 0, matching torch where 0 is excluded)
    char_freq = hist.at[:, 0].set(0.0)
    # seq_len: number of nonzero tokens per sample
    seq_len = jnp.sum((x != 0).astype(jnp.float32), axis=1)
    # unique nonzero chars per sample
    unique_chars = jnp.sum((char_freq > 0).astype(jnp.float32), axis=1)
    features = jnp.concatenate([seq_len[:, None], unique_chars[:, None], char_freq], axis=1)  # [B, 42]
    h = jax.nn.relu(features @ W1.T + b1)
    h = jax.nn.relu(h @ W2.T + b2)
    gate_logits = h @ W3.T + b3
    gate_weights = jax.nn.softmax(gate_logits, axis=1)
    return gate_weights

if __name__ == "__main__":
    import jax
    _d = setup_inputs()
    print(jax.jit(kernel)(*tuple(_d.values())))

</pallas_src>

<mosaic_0001>
#map = affine_map<(d0, d1) -> (0, 0)>
module attributes {stable_mosaic.version = 14 : i64} {
  func.func @_feature_body(%arg0: i32, %arg1: i32, %arg2: memref<4096x200xi32, #tpu.memory_space<hbm>>, %arg3: memref<4096x48xf32, #tpu.memory_space<hbm>>, %arg4: memref<128x200xi32, #tpu.memory_space<vmem>>, %arg5: memref<128x48xf32, #tpu.memory_space<vmem>>) attributes {dimension_semantics = [#tpu.dimension_semantics<core_parallel>, #tpu.dimension_semantics<subcore_parallel>], iteration_bounds = array<i64: 2, 16>, scalar_prefetch = 0 : i64, scratch_operands = 2 : i64, tpu.core_type = #tpu.core_type<sc_vector_subcore>, window_params = [{transform_indices = #map}, {transform_indices = #map}]} {
    %mul3A = arith.constant 2 : i32
    %mul3A_0 = arith.muli %arg1, %mul3A : i32
    %add3A = arith.addi %mul3A_0, %arg0 : i32
    %mul3A_1 = arith.constant 128 : i32
    %mul3A_2 = arith.muli %add3A, %mul3A_1 : i32
    "tpu.region"() ({
      %run_scoped3A = tpu.sem_alloc : memref<!tpu.dma_semaphore, #tpu.memory_space<semaphore_mem>>
      %dma_start3A = arith.constant 0 : i32
      %dma_start3A_10 = tpu.memref_slice %arg2[%mul3A_2, %dma_start3A] : memref<4096x200xi32, #tpu.memory_space<hbm>> -> memref<128x200xi32, #tpu.memory_space<hbm>>
      %dma_start3A_11 = arith.constant 0 : i32
      %dma_start3A_12 = tpu.memref_slice %arg2[%mul3A_2, %dma_start3A_11] : memref<4096x200xi32, #tpu.memory_space<hbm>> -> memref<128x200xi32, #tpu.memory_space<hbm>>
      tpu.enqueue_dma source(%dma_start3A_12 : memref<128x200xi32, #tpu.memory_space<hbm>>) target(%arg4 : memref<128x200xi32, #tpu.memory_space<vmem>>) target_semaphore(%run_scoped3A : memref<!tpu.dma_semaphore, #tpu.memory_space<semaphore_mem>>)
      %dma_wait3A = arith.constant 0 : i32
      %dma_wait3A_13 = tpu.memref_slice %arg2[%mul3A_2, %dma_wait3A] : memref<4096x200xi32, #tpu.memory_space<hbm>> -> memref<128x200xi32, #tpu.memory_space<hbm>>
      %dma_wait3A_14 = arith.constant 0 : i32
      %dma_wait3A_15 = tpu.memref_slice %arg2[%mul3A_2, %dma_wait3A_14] : memref<4096x200xi32, #tpu.memory_space<hbm>> -> memref<128x200xi32, #tpu.memory_space<hbm>>
      tpu.wait_dma2 semaphore(%run_scoped3A : memref<!tpu.dma_semaphore, #tpu.memory_space<semaphore_mem>>) src(%dma_wait3A_15 : memref<128x200xi32, #tpu.memory_space<hbm>>) dst(%arg4 : memref<128x200xi32, #tpu.memory_space<vmem>>)
      tpu.yield
    }) : () -> ()
    %broadcast_in_dim3A = arith.constant 0.000000e+00 : f32
    %broadcast_in_dim3A_3 = vector.broadcast %broadcast_in_dim3A : f32 to vector<16xf32>
    %broadcast_in_dim3A_4 = arith.constant 1.000000e+00 : f32
    %broadcast_in_dim3A_5 = vector.broadcast %broadcast_in_dim3A_4 : f32 to vector<16xf32>
    %iota3A = tpu.iota {dimensions = array<i32: 0>} : vector<16xi32>
    %ge3A = arith.constant 8 : i32
    %ge3A_6 = vector.broadcast %ge3A : i32 to vector<16xi32>
    %ge3A_7 = arith.cmpi sge, %iota3A, %ge3A_6 : vector<16xi32>
    %parallel_loop3A = arith.constant 0 : i32
    %parallel_loop3A_8 = arith.constant 128 : i32
    %parallel_loop3A_9 = arith.constant 1 : i32
    scf.for %parallel_loop3A_10 = %parallel_loop3A to %parallel_loop3A_8 step %parallel_loop3A_9  : i32 {
      %parallel_loop3A_11 = vector.broadcast %parallel_loop3A_10 : i32 to vector<16xi32>
      %parallel_loop3A_12 = arith.index_cast %parallel_loop3A_10 : i32 to index
      %parallel_loop3A_13 = arith.constant 0 : index
      %parallel_loop3A_14 = tpu.vector_load %arg5[%parallel_loop3A_12, %parallel_loop3A_13] {strides = array<i32>} : memref<128x48xf32, #tpu.memory_space<vmem>>, vector<16xf32>,
      tpu.vector_store %arg5[%parallel_loop3A_12, %parallel_loop3A_13], %broadcast_in_dim3A_3 {strides = array<i32>} : memref<128x48xf32, #tpu.memory_space<vmem>>, vector<16xf32>,
      %parallel_loop3A_15 = arith.index_cast %parallel_loop3A_10 : i32 to index
      %parallel_loop3A_16 = arith.constant 16 : index
      %parallel_loop3A_17 = tpu.vector_load %arg5[%parallel_loop3A_15, %parallel_loop3A_16] {strides = array<i32>} : memref<128x48xf32, #tpu.memory_space<vmem>>, vector<16xf32>,
      tpu.vector_store %arg5[%parallel_loop3A_15, %parallel_loop3A_16], %broadcast_in_dim3A_3 {strides = array<i32>} : memref<128x48xf32, #tpu.memory_space<vmem>>, vector<16xf32>,
      %parallel_loop3A_18 = arith.index_cast %parallel_loop3A_10 : i32 to index
      %parallel_loop3A_19 = arith.constant 32 : index
      %parallel_loop3A_20 = tpu.vector_load %arg5[%parallel_loop3A_18, %parallel_loop3A_19] {strides = array<i32>} : memref<128x48xf32, #tpu.memory_space<vmem>>, vector<16xf32>,
      tpu.vector_store %arg5[%parallel_loop3A_18, %parallel_loop3A_19], %broadcast_in_dim3A_3 {strides = array<i32>} : memref<128x48xf32, #tpu.memory_space<vmem>>, vector<16xf32>,
      %parallel_loop3A_21 = arith.index_cast %parallel_loop3A_10 : i32 to index
      %parallel_loop3A_22 = arith.constant 0 : index
      %parallel_loop3A_23 = tpu.vector_load %arg4[%parallel_loop3A_21, %parallel_loop3A_22] {strides = array<i32>} : memref<128x200xi32, #tpu.memory_space<vmem>>, vector<16xi32>,
      %parallel_loop3A_24 = arith.constant 2 : i32
      %parallel_loop3A_25 = vector.broadcast %parallel_loop3A_24 : i32 to vector<16xi32>
      %parallel_loop3A_26 = arith.addi %parallel_loop3A_23, %parallel_loop3A_25 : vector<16xi32>
      tpu.vector_store_idx %arg5[%parallel_loop3A_11, %parallel_loop3A_26], %broadcast_in_dim3A_5 {add = true} : memref<128x48xf32, #tpu.memory_space<vmem>>[vector<16xi32>, vector<16xi32>], vector<16xf32>,
      %parallel_loop3A_27 = arith.index_cast %parallel_loop3A_10 : i32 to index
      %parallel_loop3A_28 = arith.constant 16 : index
      %parallel_loop3A_29 = tpu.vector_load %arg4[%parallel_loop3A_27, %parallel_loop3A_28] {strides = array<i32>} : memref<128x200xi32, #tpu.memory_space<vmem>>, vector<16xi32>,
      %parallel_loop3A_30 = arith.constant 2 : i32
      %parallel_loop3A_31 = vector.broadcast %parallel_loop3A_30 : i32 to vector<16xi32>
      %parallel_loop3A_32 = arith.addi %parallel_loop3A_29, %parallel_loop3A_31 : vector<16xi32>
      tpu.vector_store_idx %arg5[%parallel_loop3A_11, %parallel_loop3A_32], %broadcast_in_dim3A_5 {add = true} : memref<128x48xf32, #tpu.memory_space<vmem>>[vector<16xi32>, vector<16xi32>], vector<16xf32>,
      %parallel_loop3A_33 = arith.index_cast %parallel_loop3A_10 : i32 to index
      %parallel_loop3A_34 = arith.constant 32 : index
      %parallel_loop3A_35 = tpu.vector_load %arg4[%parallel_loop3A_33, %parallel_loop3A_34] {strides = array<i32>} : memref<128x200xi32, #tpu.memory_space<vmem>>, vector<16xi32>,
      %parallel_loop3A_36 = arith.constant 2 : i32
      %parallel_loop3A_37 = vector.broadcast %parallel_loop3A_36 : i32 to vector<16xi32>
      %parallel_loop3A_38 = arith.addi %parallel_loop3A_35, %parallel_loop3A_37 : vector<16xi32>
      tpu.vector_store_idx %arg5[%parallel_loop3A_11, %parallel_loop3A_38], %broadcast_in_dim3A_5 {add = true} : memref<128x48xf32, #tpu.memory_space<vmem>>[vector<16xi32>, vector<16xi32>], vector<16xf32>,
      %parallel_loop3A_39 = arith.index_cast %parallel_loop3A_10 : i32 to index
      %parallel_loop3A_40 = arith.constant 48 : index
      %parallel_loop3A_41 = tpu.vector_load %arg4[%parallel_loop3A_39, %parallel_loop3A_40] {strides = array<i32>} : memref<128x200xi32, #tpu.memory_space<vmem>>, vector<16xi32>,
      %parallel_loop3A_42 = arith.constant 2 : i32
      %parallel_loop3A_43 = vector.broadcast %parallel_loop3A_42 : i32 to vector<16xi32>
      %parallel_loop3A_44 = arith.addi %parallel_loop3A_41, %parallel_loop3A_43 : vector<16xi32>
      tpu.vector_store_idx %arg5[%parallel_loop3A_11, %parallel_loop3A_44], %broadcast_in_dim3A_5 {add = true} : memref<128x48xf32, #tpu.memory_space<vmem>>[vector<16xi32>, vector<16xi32>], vector<16xf32>,
      %parallel_loop3A_45 = arith.index_cast %parallel_loop3A_10 : i32 to index
      %parallel_loop3A_46 = arith.constant 64 : index
      %parallel_loop3A_47 = tpu.vector_load %arg4[%parallel_loop3A_45, %parallel_loop3A_46] {strides = array<i32>} : memref<128x200xi32, #tpu.memory_space<vmem>>, vector<16xi32>,
      %parallel_loop3A_48 = arith.constant 2 : i32
      %parallel_loop3A_49 = vector.broadcast %parallel_loop3A_48 : i32 to vector<16xi32>
      %parallel_loop3A_50 = arith.addi %parallel_loop3A_47, %parallel_loop3A_49 : vector<16xi32>
      tpu.vector_store_idx %arg5[%parallel_loop3A_11, %parallel_loop3A_50], %broadcast_in_dim3A_5 {add = true} : memref<128x48xf32, #tpu.memory_space<vmem>>[vector<16xi32>, vector<16xi32>], vector<16xf32>,
      %parallel_loop3A_51 = arith.index_cast %parallel_loop3A_10 : i32 to index
      %parallel_loop3A_52 = arith.constant 80 : index
      %parallel_loop3A_53 = tpu.vector_load %arg4[%parallel_loop3A_51, %parallel_loop3A_52] {strides = array<i32>} : memref<128x200xi32, #tpu.memory_space<vmem>>, vector<16xi32>,
      %parallel_loop3A_54 = arith.constant 2 : i32
      %parallel_loop3A_55 = vector.broadcast %parallel_loop3A_54 : i32 to vector<16xi32>
      %parallel_loop3A_56 = arith.addi %parallel_loop3A_53, %parallel_loop3A_55 : vector<16xi32>
      tpu.vector_store_idx %arg5[%parallel_loop3A_11, %parallel_loop3A_56], %broadcast_in_dim3A_5 {add = true} : memref<128x48xf32, #tpu.memory_space<vmem>>[vector<16xi32>, vector<16xi32>], vector<16xf32>,
      %parallel_loop3A_57 = arith.index_cast %parallel_loop3A_10 : i32 to index
      %parallel_loop3A_58 = arith.constant 96 : index
      %parallel_loop3A_59 = tpu.vector_load %arg4[%parallel_loop3A_57, %parallel_loop3A_58] {strides = array<i32>} : memref<128x200xi32, #tpu.memory_space<vmem>>, vector<16xi32>,
      %parallel_loop3A_60 = arith.constant 2 : i32
      %parallel_loop3A_61 = vector.broadcast %parallel_loop3A_60 : i32 to vector<16xi32>
      %parallel_loop3A_62 = arith.addi %parallel_loop3A_59, %parallel_loop3A_61 : vector<16xi32>
      tpu.vector_store_idx %arg5[%parallel_loop3A_11, %parallel_loop3A_62], %broadcast_in_dim3A_5 {add = true} : memref<128x48xf32, #tpu.memory_space<vmem>>[vector<16xi32>, vector<16xi32>], vector<16xf32>,
      %parallel_loop3A_63 = arith.index_cast %parallel_loop3A_10 : i32 to index
      %parallel_loop3A_64 = arith.constant 112 : index
      %parallel_loop3A_65 = tpu.vector_load %arg4[%parallel_loop3A_63, %parallel_loop3A_64] {strides = array<i32>} : memref<128x200xi32, #tpu.memory_space<vmem>>, vector<16xi32>,
      %parallel_loop3A_66 = arith.constant 2 : i32
      %parallel_loop3A_67 = vector.broadcast %parallel_loop3A_66 : i32 to vector<16xi32>
      %parallel_loop3A_68 = arith.addi %parallel_loop3A_65, %parallel_loop3A_67 : vector<16xi32>
      tpu.vector_store_idx %arg5[%parallel_loop3A_11, %parallel_loop3A_68], %broadcast_in_dim3A_5 {add = true} : memref<128x48xf32, #tpu.memory_space<vmem>>[vector<16xi32>, vector<16xi32>], vector<16xf32>,
      %parallel_loop3A_69 = arith.index_cast %parallel_loop3A_10 : i32 to index
      %parallel_loop3A_70 = arith.constant 128 : index
      %parallel_loop3A_71 = tpu.vector_load %arg4[%parallel_loop3A_69, %parallel_loop3A_70] {strides = array<i32>} : memref<128x200xi32, #tpu.memory_space<vmem>>, vector<16xi32>,
      %parallel_loop3A_72 = arith.constant 2 : i32
      %parallel_loop3A_73 = vector.broadcast %parallel_loop3A_72 : i32 to vector<16xi32>
      %parallel_loop3A_74 = arith.addi %parallel_loop3A_71, %parallel_loop3A_73 : vector<16xi32>
      tpu.vector_store_idx %arg5[%parallel_loop3A_11, %parallel_loop3A_74], %broadcast_in_dim3A_5 {add = true} : memref<128x48xf32, #tpu.memory_space<vmem>>[vector<16xi32>, vector<16xi32>], vector<16xf32>,
      %parallel_loop3A_75 = arith.index_cast %parallel_loop3A_10 : i32 to index
      %parallel_loop3A_76 = arith.constant 144 : index
      %parallel_loop3A_77 = tpu.vector_load %arg4[%parallel_loop3A_75, %parallel_loop3A_76] {strides = array<i32>} : memref<128x200xi32, #tpu.memory_space<vmem>>, vector<16xi32>,
      %parallel_loop3A_78 = arith.constant 2 : i32
      %parallel_loop3A_79 = vector.broadcast %parallel_loop3A_78 : i32 to vector<16xi32>
      %parallel_loop3A_80 = arith.addi %parallel_loop3A_77, %parallel_loop3A_79 : vector<16xi32>
      tpu.vector_store_idx %arg5[%parallel_loop3A_11, %parallel_loop3A_80], %broadcast_in_dim3A_5 {add = true} : memref<128x48xf32, #tpu.memory_space<vmem>>[vector<16xi32>, vector<16xi32>], vector<16xf32>,
      %parallel_loop3A_81 = arith.index_cast %parallel_loop3A_10 : i32 to index
      %parallel_loop3A_82 = arith.constant 160 : index
      %parallel_loop3A_83 = tpu.vector_load %arg4[%parallel_loop3A_81, %parallel_loop3A_82] {strides = array<i32>} : memref<128x200xi32, #tpu.memory_space<vmem>>, vector<16xi32>,
      %parallel_loop3A_84 = arith.constant 2 : i32
      %parallel_loop3A_85 = vector.broadcast %parallel_loop3A_84 : i32 to vector<16xi32>
      %parallel_loop3A_86 = arith.addi %parallel_loop3A_83, %parallel_loop3A_85 : vector<16xi32>
      tpu.vector_store_idx %arg5[%parallel_loop3A_11, %parallel_loop3A_86], %broadcast_in_dim3A_5 {add = true} : memref<128x48xf32, #tpu.memory_space<vmem>>[vector<16xi32>, vector<16xi32>], vector<16xf32>,
      %parallel_loop3A_87 = arith.index_cast %parallel_loop3A_10 : i32 to index
      %parallel_loop3A_88 = arith.constant 176 : index
      %parallel_loop3A_89 = tpu.vector_load %arg4[%parallel_loop3A_87, %parallel_loop3A_88] {strides = array<i32>} : memref<128x200xi32, #tpu.memory_space<vmem>>, vector<16xi32>,
      %parallel_loop3A_90 = arith.constant 2 : i32
      %parallel_loop3A_91 = vector.broadcast %parallel_loop3A_90 : i32 to vector<16xi32>
      %parallel_loop3A_92 = arith.addi %parallel_loop3A_89, %parallel_loop3A_91 : vector<16xi32>
      tpu.vector_store_idx %arg5[%parallel_loop3A_11, %parallel_loop3A_92], %broadcast_in_dim3A_5 {add = true} : memref<128x48xf32, #tpu.memory_space<vmem>>[vector<16xi32>, vector<16xi32>], vector<16xf32>,
      %parallel_loop3A_93 = arith.index_cast %parallel_loop3A_10 : i32 to index
      %parallel_loop3A_94 = arith.constant 184 : index
      %parallel_loop3A_95 = tpu.vector_load %arg4[%parallel_loop3A_93, %parallel_loop3A_94] {strides = array<i32>} : memref<128x200xi32, #tpu.memory_space<vmem>>, vector<16xi32>,
      %parallel_loop3A_96 = arith.constant 2 : i32
      %parallel_loop3A_97 = vector.broadcast %parallel_loop3A_96 : i32 to vector<16xi32>
      %parallel_loop3A_98 = arith.addi %parallel_loop3A_95, %parallel_loop3A_97 : vector<16xi32>
      tpu.vector_store_idx %arg5[%parallel_loop3A_11, %parallel_loop3A_98], %broadcast_in_dim3A_5 masked %ge3A_7 {add = true} : memref<128x48xf32, #tpu.memory_space<vmem>>[vector<16xi32>, vector<16xi32>], vector<16xf32>, vector<16xi1>
      %parallel_loop3A_99 = arith.index_cast %parallel_loop3A_10 : i32 to index
      %parallel_loop3A_100 = arith.constant 0 : index
      %parallel_loop3A_101 = tpu.vector_load %arg5[%parallel_loop3A_99, %parallel_loop3A_100] {strides = array<i32>} : memref<128x48xf32, #tpu.memory_space<vmem>>, vector<16xf32>,
      %parallel_loop3A_102 = arith.index_cast %parallel_loop3A_10 : i32 to index
      %parallel_loop3A_103 = arith.constant 16 : index
      %parallel_loop3A_104 = tpu.vector_load %arg5[%parallel_loop3A_102, %parallel_loop3A_103] {strides = array<i32>} : memref<128x48xf32, #tpu.memory_space<vmem>>, vector<16xf32>,
      %parallel_loop3A_105 = arith.index_cast %parallel_loop3A_10 : i32 to index
      %parallel_loop3A_106 = arith.constant 32 : index
      %parallel_loop3A_107 = tpu.vector_load %arg5[%parallel_loop3A_105, %parallel_loop3A_106] {strides = array<i32>} : memref<128x48xf32, #tpu.memory_space<vmem>>, vector<16xf32>,
      %parallel_loop3A_108 = arith.constant 0.000000e+00 : f32
      %parallel_loop3A_109 = vector.broadcast %parallel_loop3A_108 : f32 to vector<16xf32>
      %parallel_loop3A_110 = arith.cmpf ogt, %parallel_loop3A_101, %parallel_loop3A_109 : vector<16xf32>
      %parallel_loop3A_111 = arith.constant 3 : i32
      %parallel_loop3A_112 = vector.broadcast %parallel_loop3A_111 : i32 to vector<16xi32>
      %parallel_loop3A_113 = arith.cmpi sge, %iota3A, %parallel_loop3A_112 : vector<16xi32>
      %parallel_loop3A_114 = arith.andi %parallel_loop3A_110, %parallel_loop3A_113 : vector<16xi1>
      %parallel_loop3A_115 = tpu.all_reduce %parallel_loop3A_114 {dim = 0 : i64, kind = #tpu.reduction_kind<sum>} : vector<16xi1> -> vector<16xi32>
      %parallel_loop3A_116 = arith.constant 0.000000e+00 : f32
      %parallel_loop3A_117 = vector.broadcast %parallel_loop3A_116 : f32 to vector<16xf32>
      %parallel_loop3A_118 = arith.cmpf ogt, %parallel_loop3A_104, %parallel_loop3A_117 : vector<16xf32>
      %parallel_loop3A_119 = tpu.all_reduce %parallel_loop3A_118 {dim = 0 : i64, kind = #tpu.reduction_kind<sum>} : vector<16xi1> -> vector<16xi32>
      %parallel_loop3A_120 = arith.constant 0.000000e+00 : f32
      %parallel_loop3A_121 = vector.broadcast %parallel_loop3A_120 : f32 to vector<16xf32>
      %parallel_loop3A_122 = arith.cmpf ogt, %parallel_loop3A_107, %parallel_loop3A_121 : vector<16xf32>
      %parallel_loop3A_123 = arith.constant 9 : i32
      %parallel_loop3A_124 = vector.broadcast %parallel_loop3A_123 : i32 to vector<16xi32>
      %parallel_loop3A_125 = arith.cmpi sle, %iota3A, %parallel_loop3A_124 : vector<16xi32>
      %parallel_loop3A_126 = arith.andi %parallel_loop3A_122, %parallel_loop3A_125 : vector<16xi1>
      %parallel_loop3A_127 = tpu.all_reduce %parallel_loop3A_126 {dim = 0 : i64, kind = #tpu.reduction_kind<sum>} : vector<16xi1> -> vector<16xi32>
      %parallel_loop3A_128 = arith.addi %parallel_loop3A_115, %parallel_loop3A_119 : vector<16xi32>
      %parallel_loop3A_129 = arith.addi %parallel_loop3A_128, %parallel_loop3A_127 : vector<16xi32>
      %parallel_loop3A_130 = arith.sitofp %parallel_loop3A_129 : vector<16xi32> to vector<16xf32>
      %parallel_loop3A_131 = arith.constant 2 : i32
      %parallel_loop3A_132 = vector.broadcast %parallel_loop3A_131 : i32 to vector<16xi32>
      %parallel_loop3A_133 = arith.cmpi eq, %iota3A, %parallel_loop3A_132 : vector<16xi32>
      %parallel_loop3A_134 = arith.select %parallel_loop3A_133, %parallel_loop3A_101, %broadcast_in_dim3A_3 : vector<16xi1>, vector<16xf32>
      %parallel_loop3A_135 = arith.constant true
      %parallel_loop3A_136 = vector.broadcast %parallel_loop3A_135 : i1 to vector<16xi1>
      %parallel_loop3A_137 = tpu.scan <sum>, %parallel_loop3A_134 masked %parallel_loop3A_136 : vector<16xf32>, vector<16xi1> -> vector<16xf32>
      %parallel_loop3A_138 = vector.extract %parallel_loop3A_137[15] : f32 from vector<16xf32>
      %parallel_loop3A_139 = arith.constant 2.000000e+02 : f32
      %parallel_loop3A_140 = vector.broadcast %parallel_loop3A_139 : f32 to vector<16xf32>
      %parallel_loop3A_141 = vector.broadcast %parallel_loop3A_138 : f32 to vector<16xf32>
      %parallel_loop3A_142 = arith.subf %parallel_loop3A_140, %parallel_loop3A_141 : vector<16xf32>
      %parallel_loop3A_143 = arith.constant 0 : i32
      %parallel_loop3A_144 = vector.broadcast %parallel_loop3A_143 : i32 to vector<16xi32>
      %parallel_loop3A_145 = arith.cmpi eq, %iota3A, %parallel_loop3A_144 : vector<16xi32>
      %parallel_loop3A_146 = arith.constant 1 : i32
      %parallel_loop3A_147 = vector.broadcast %parallel_loop3A_146 : i32 to vector<16xi32>
      %parallel_loop3A_148 = arith.cmpi eq, %iota3A, %parallel_loop3A_147 : vector<16xi32>
      %parallel_loop3A_149 = arith.constant 2 : i32
      %parallel_loop3A_150 = vector.broadcast %parallel_loop3A_149 : i32 to vector<16xi32>
      %parallel_loop3A_151 = arith.cmpi eq, %iota3A, %parallel_loop3A_150 : vector<16xi32>
      %parallel_loop3A_152 = arith.select %parallel_loop3A_151, %broadcast_in_dim3A_3, %parallel_loop3A_101 : vector<16xi1>, vector<16xf32>
      %parallel_loop3A_153 = arith.select %parallel_loop3A_148, %parallel_loop3A_130, %parallel_loop3A_152 : vector<16xi1>, vector<16xf32>
      %parallel_loop3A_154 = arith.select %parallel_loop3A_145, %parallel_loop3A_142, %parallel_loop3A_153 : vector<16xi1>, vector<16xf32>
      %parallel_loop3A_155 = arith.index_cast %parallel_loop3A_10 : i32 to index
      %parallel_loop3A_156 = arith.constant 0 : index
      %parallel_loop3A_157 = tpu.vector_load %arg5[%parallel_loop3A_155, %parallel_loop3A_156] {strides = array<i32>} : memref<128x48xf32, #tpu.memory_space<vmem>>, vector<16xf32>,
      tpu.vector_store %arg5[%parallel_loop3A_155, %parallel_loop3A_156], %parallel_loop3A_154 {strides = array<i32>} : memref<128x48xf32, #tpu.memory_space<vmem>>, vector<16xf32>,
    } {sc.loop_unroll_factor = 2 : i64, sc.parallel_access}
    "tpu.region"() ({
      %run_scoped3A = tpu.sem_alloc : memref<!tpu.dma_semaphore, #tpu.memory_space<semaphore_mem>>
      %dma_start3A = arith.constant 0 : i32
      %dma_start3A_10 = tpu.memref_slice %arg3[%mul3A_2, %dma_start3A] : memref<4096x48xf32, #tpu.memory_space<hbm>> -> memref<128x48xf32, #tpu.memory_space<hbm>>
      %dma_start3A_11 = arith.constant 0 : i32
      %dma_start3A_12 = tpu.memref_slice %arg3[%mul3A_2, %dma_start3A_11] : memref<4096x48xf32, #tpu.memory_space<hbm>> -> memref<128x48xf32, #tpu.memory_space<hbm>>
      tpu.enqueue_dma source(%arg5 : memref<128x48xf32, #tpu.memory_space<vmem>>) target(%dma_start3A_12 : memref<128x48xf32, #tpu.memory_space<hbm>>) target_semaphore(%run_scoped3A : memref<!tpu.dma_semaphore, #tpu.memory_space<semaphore_mem>>)
      %dma_wait3A = arith.constant 0 : i32
      %dma_wait3A_13 = tpu.memref_slice %arg3[%mul3A_2, %dma_wait3A] : memref<4096x48xf32, #tpu.memory_space<hbm>> -> memref<128x48xf32, #tpu.memory_space<hbm>>
      %dma_wait3A_14 = arith.constant 0 : i32
      %dma_wait3A_15 = tpu.memref_slice %arg3[%mul3A_2, %dma_wait3A_14] : memref<4096x48xf32, #tpu.memory_space<hbm>> -> memref<128x48xf32, #tpu.memory_space<hbm>>
      tpu.wait_dma2 semaphore(%run_scoped3A : memref<!tpu.dma_semaphore, #tpu.memory_space<semaphore_mem>>) src(%arg5 : memref<128x48xf32, #tpu.memory_space<vmem>>) dst(%dma_wait3A_15 : memref<128x48xf32, #tpu.memory_space<hbm>>)
      tpu.yield
    }) : () -> ()
    return
  }
}

module attributes {stable_mosaic.version = 14 : i64} {
  func.func @_mlp_body(%arg0: i32, %arg1: memref<2048x48xf32, #tpu.memory_space<vmem>>, %arg2: memref<48x128xf32, #tpu.memory_space<vmem>>, %arg3: memref<1x128xf32, #tpu.memory_space<vmem>>, %arg4: memref<128x64xf32, #tpu.memory_space<vmem>>, %arg5: memref<1x64xf32, #tpu.memory_space<vmem>>, %arg6: memref<64x8xf32, #tpu.memory_space<vmem>>, %arg7: memref<1x8xf32, #tpu.memory_space<vmem>>, %arg8: memref<3x2048xf32, #tpu.memory_space<vmem>>) attributes {dimension_semantics = [#tpu.dimension_semantics<arbitrary>], iteration_bounds = array<i64: 2>, scalar_prefetch = 0 : i64, scratch_operands = 0 : i64, tpu.core_type = #tpu.core_type<tc>, window_params = [{transform_indices = @transform_0, window_bounds = array<i64: 2048, 48>}, {pipeline_mode = #tpu.pipeline_mode<synchronous>, transform_indices = @transform_1, window_bounds = array<i64: 48, 128>}, {pipeline_mode = #tpu.pipeline_mode<synchronous>, transform_indices = @transform_2, window_bounds = array<i64: 1, 128>}, {pipeline_mode = #tpu.pipeline_mode<synchronous>, transform_indices = @transform_3, window_bounds = array<i64: 128, 64>}, {pipeline_mode = #tpu.pipeline_mode<synchronous>, transform_indices = @transform_4, window_bounds = array<i64: 1, 64>}, {pipeline_mode = #tpu.pipeline_mode<synchronous>, transform_indices = @transform_5, window_bounds = array<i64: 64, 8>}, {pipeline_mode = #tpu.pipeline_mode<synchronous>, transform_indices = @transform_6, window_bounds = array<i64: 1, 8>}, {transform_indices = @transform_7, window_bounds = array<i64: 3, 2048>}]} {
    %get3A = arith.constant 0 : index
    %get3A_0 = arith.constant 0 : index
    %get3A_1 = vector.load %arg1[%get3A, %get3A_0] : memref<2048x48xf32, #tpu.memory_space<vmem>>, vector<2048x48xf32>
    %get3A_2 = arith.constant 0 : index
    %get3A_3 = arith.constant 0 : index
    %get3A_4 = vector.load %arg2[%get3A_2, %get3A_3] : memref<48x128xf32, #tpu.memory_space<vmem>>, vector<48x128xf32>
    %dot_general3A = arith.constant dense<0.000000e+00> : vector<2048x128xf32>
    %dot_general3A_5 = tpu.matmul %get3A_1, %get3A_4, %dot_general3A {dimension_numbers = #tpu.dot_dimension_numbers<[1], [0], [0], [1], [0, 0, 1, 1], [], []>, transpose_lhs_hint = false} : vector<2048x48xf32>, vector<48x128xf32>, vector<2048x128xf32> -> vector<2048x128xf32>
    %get3A_6 = arith.constant 0 : index
    %get3A_7 = arith.constant 0 : index
    %get3A_8 = vector.load %arg3[%get3A_6, %get3A_7] : memref<1x128xf32, #tpu.memory_space<vmem>>, vector<1x128xf32>
    %add3A = vector.broadcast %get3A_8 : vector<1x128xf32> to vector<2048x128xf32>
    %add3A_9 = arith.addf %dot_general3A_5, %add3A : vector<2048x128xf32>
    %max3A = arith.constant 0.000000e+00 : f32
    %max3A_10 = vector.broadcast %max3A : f32 to vector<2048x128xf32>
    %max3A_11 = arith.maximumf %add3A_9, %max3A_10 : vector<2048x128xf32>
    %get3A_12 = arith.constant 0 : index
    %get3A_13 = arith.constant 0 : index
    %get3A_14 = vector.load %arg4[%get3A_12, %get3A_13] : memref<128x64xf32, #tpu.memory_space<vmem>>, vector<128x64xf32>
    %dot_general3A_15 = arith.constant dense<0.000000e+00> : vector<2048x64xf32>
    %dot_general3A_16 = tpu.matmul %max3A_11, %get3A_14, %dot_general3A_15 {dimension_numbers = #tpu.dot_dimension_numbers<[1], [0], [0], [1], [0, 0, 1, 1], [], []>, transpose_lhs_hint = false} : vector<2048x128xf32>, vector<128x64xf32>, vector<2048x64xf32> -> vector<2048x64xf32>
    %get3A_17 = arith.constant 0 : index
    %get3A_18 = arith.constant 0 : index
    %get3A_19 = vector.load %arg5[%get3A_17, %get3A_18] : memref<1x64xf32, #tpu.memory_space<vmem>>, vector<1x64xf32>
    %add3A_20 = vector.broadcast %get3A_19 : vector<1x64xf32> to vector<2048x64xf32>
    %add3A_21 = arith.addf %dot_general3A_16, %add3A_20 : vector<2048x64xf32>
    %max3A_22 = arith.constant 0.000000e+00 : f32
    %max3A_23 = vector.broadcast %max3A_22 : f32 to vector<2048x64xf32>
    %max3A_24 = arith.maximumf %add3A_21, %max3A_23 : vector<2048x64xf32>
    %get3A_25 = arith.constant 0 : index
    %get3A_26 = arith.constant 0 : index
    %get3A_27 = vector.load %arg6[%get3A_25, %get3A_26] : memref<64x8xf32, #tpu.memory_space<vmem>>, vector<64x8xf32>
    %dot_general3A_28 = arith.constant dense<0.000000e+00> : vector<2048x8xf32>
    %dot_general3A_29 = tpu.matmul %max3A_24, %get3A_27, %dot_general3A_28 {dimension_numbers = #tpu.dot_dimension_numbers<[1], [0], [0], [1], [0, 0, 1, 1], [], []>, transpose_lhs_hint = false} : vector<2048x64xf32>, vector<64x8xf32>, vector<2048x8xf32> -> vector<2048x8xf32>
    %get3A_30 = arith.constant 0 : index
    %get3A_31 = arith.constant 0 : index
    %get3A_32 = vector.load %arg7[%get3A_30, %get3A_31] : memref<1x8xf32, #tpu.memory_space<vmem>>, vector<1x8xf32>
    %add3A_33 = vector.broadcast %get3A_32 : vector<1x8xf32> to vector<2048x8xf32>
    %add3A_34 = arith.addf %dot_general3A_29, %add3A_33 : vector<2048x8xf32>
    %iota3A = tpu.iota {dimensions = array<i32: 1>} : vector<2048x8xi32>
    %lt3A = arith.constant 3 : i32
    %lt3A_35 = vector.broadcast %lt3A : i32 to vector<2048x8xi32>
    %lt3A_36 = arith.cmpi slt, %iota3A, %lt3A_35 : vector<2048x8xi32>
    %jit3A = arith.constant 0xFF800000 : f32
    %broadcast_in_dim3A = vector.broadcast %jit3A : f32 to vector<2048x8xf32>
    %select_n3A = arith.select %lt3A_36, %add3A_34, %broadcast_in_dim3A : vector<2048x8xi1>, vector<2048x8xf32>
    %reduce_max3A = arith.constant dense<0xFF800000> : vector<2048xf32>
    %reduce_max3A_37 = vector.multi_reduction <maximumf>, %select_n3A, %reduce_max3A [1] : vector<2048x8xf32> to vector<2048xf32>
    %broadcast_in_dim3A_38 = vector.shape_cast %reduce_max3A_37 : vector<2048xf32> to vector<2048x1xf32>
    %sub3A = vector.broadcast %broadcast_in_dim3A_38 : vector<2048x1xf32> to vector<2048x8xf32>
    %sub3A_39 = arith.subf %select_n3A, %sub3A : vector<2048x8xf32>
    %exp3A = math.exp %sub3A_39 : vector<2048x8xf32>
    %jit3A_40 = arith.constant 0.000000e+00 : f32
    %broadcast_in_dim3A_41 = vector.broadcast %jit3A_40 : f32 to vector<2048x8xf32>
    %select_n3A_42 = arith.select %lt3A_36, %exp3A, %broadcast_in_dim3A_41 : vector<2048x8xi1>, vector<2048x8xf32>
    %reduce_sum3A = arith.constant dense<0.000000e+00> : vector<2048xf32>
    %reduce_sum3A_43 = vector.multi_reduction <add>, %select_n3A_42, %reduce_sum3A [1] : vector<2048x8xf32> to vector<2048xf32>
    %broadcast_in_dim3A_44 = vector.shape_cast %reduce_sum3A_43 : vector<2048xf32> to vector<2048x1xf32>
    %div3A = vector.broadcast %broadcast_in_dim3A_44 : vector<2048x1xf32> to vector<2048x8xf32>
    %div3A_45 = arith.divf %select_n3A_42, %div3A : vector<2048x8xf32>
    %slice3A = vector.extract_strided_slice %div3A_45 {offsets = [0, 0], sizes = [2048, 3], strides = [1, 1]} : vector<2048x8xf32> to vector<2048x3xf32>
    %transpose3A = tpu.transpose %slice3A, [1, 0] : vector<2048x3xf32> -> vector<3x2048xf32>
    %swap3A = arith.constant 0 : index
    %swap3A_46 = arith.constant 0 : index
    %swap3A_47 = vector.load %arg8[%swap3A, %swap3A_46] : memref<3x2048xf32, #tpu.memory_space<vmem>>, vector<3x2048xf32>
    tpu.vector_store %arg8[%swap3A, %swap3A_46], %transpose3A {strides = array<i32>} : memref<3x2048xf32, #tpu.memory_space<vmem>>, vector<3x2048xf32>,
    return
  }
  func.func @transform_0(%arg0: i32) -> (i32, i32) {
    %c0_i32 = arith.constant 0 : i32
    %c0_i32_0 = arith.constant 0 : i32
    return %arg0, %c0_i32 : i32, i32
  }
  func.func @transform_1(%arg0: i32) -> (i32, i32) {
    %c0_i32 = arith.constant 0 : i32
    %c0_i32_0 = arith.constant 0 : i32
    %c0_i32_1 = arith.constant 0 : i32
    return %c0_i32, %c0_i32_0 : i32, i32
  }
  func.func @transform_2(%arg0: i32) -> (i32, i32) {
    %c0_i32 = arith.constant 0 : i32
    %c0_i32_0 = arith.constant 0 : i32
    %c0_i32_1 = arith.constant 0 : i32
    return %c0_i32, %c0_i32_0 : i32, i32
  }
  func.func @transform_3(%arg0: i32) -> (i32, i32) {
    %c0_i32 = arith.constant 0 : i32
    %c0_i32_0 = arith.constant 0 : i32
    %c0_i32_1 = arith.constant 0 : i32
    return %c0_i32, %c0_i32_0 : i32, i32
  }
  func.func @transform_4(%arg0: i32) -> (i32, i32) {
    %c0_i32 = arith.constant 0 : i32
    %c0_i32_0 = arith.constant 0 : i32
    %c0_i32_1 = arith.constant 0 : i32
    return %c0_i32, %c0_i32_0 : i32, i32
  }
  func.func @transform_5(%arg0: i32) -> (i32, i32) {
    %c0_i32 = arith.constant 0 : i32
    %c0_i32_0 = arith.constant 0 : i32
    %c0_i32_1 = arith.constant 0 : i32
    return %c0_i32, %c0_i32_0 : i32, i32
  }
  func.func @transform_6(%arg0: i32) -> (i32, i32) {
    %c0_i32 = arith.constant 0 : i32
    %c0_i32_0 = arith.constant 0 : i32
    %c0_i32_1 = arith.constant 0 : i32
    return %c0_i32, %c0_i32_0 : i32, i32
  }
  func.func @transform_7(%arg0: i32) -> (i32, i32) {
    %c0_i32 = arith.constant 0 : i32
    %c0_i32_0 = arith.constant 0 : i32
    return %c0_i32, %arg0 : i32, i32
  }
}

</mosaic_0001>

<sc_bundles>
// kernel: kernel.4.cloned.1.call-start
scs
__scs_entry_jumppad:
0x0: {  	(pc) =	sbr.rel $0x88, $3  }
0x1: {  	(tag) =	ssettag $0x0;
	lr =	simm.s32 $0x1  }
0x2: {  	[smem:$0x3F9A] =	sst lr;
	_ =	strace $0xD0000000  }
0x3: {  	_ = 	snop  }
0x4: {  	_ = 	snop  }
0x5: {  	_ = 	snop  }
0x6: {  	_ = 	snop  }
0x7: {  	_ = 	snop  }
__scs_overlays_trampoline_lowered:
0x8: {  	[smem:$0x3FA9] =	sst s0  }
0x9: {  	[smem:$0x3FAA] =	sst s1  }
0xa: {  	[smem:$0x3FAB] =	sst s2  }
0xb: {  	[smem:$0x3FAC] =	sst s3  }
0xc: {  	[smem:$0x3FAD] =	sst s4  }
0xd: {  	[smem:$0x3FAE] =	sst s5  }
0xe: {  	[smem:$0x3FAF] =	sst s6  }
0xf: {  	[smem:$0x3FB0] =	sst s7  }
0x10: {  	[smem:$0x3FB1] =	sst s8  }
0x11: {  	[smem:$0x3FB2] =	sst s9;
	s0 =	simm.s32 @!p0 $0x0  }
0x12: {  	s1 =	sld [smem:$0x3F98];
	s0 =	simm.s32 @p0 $0x1  }
0x13: {  	[smem:$0x3FB3] =	sst s0;
	s0 =	simm.s32 @!p1 $0x0  }
0x14: {  	s2 =	sld [smem:$0x3F97];
	s0 =	simm.s32 @p1 $0x1  }
0x15: {  	[smem:$0x3FB4] =	sst s0;
	s0 =	simm.s32 @!p2 $0x0  }
0x16: {  	s3 =	sld [smem:$0x3FDB];
	s0 =	simm.s32 @p2 $0x1  }
0x17: {  	s4 =	simm.s32 $0x1BF5;
	[smem:$0x3FB6] =	sst s0  }
0x18: {  	s0 =	sld [smem:$0x3F99];
	_ =	swait.ge [sflag:s4], $0x0  }
0x19: {  	s7 =	sld [smem:$0x3F9A]  }
0x1a: {  	s8 =	sadd.s32 $0xFFFFE003, lr  }
0x1b: {  	s9 =	sadd.s32 $0xFFFFFEF7, lr;
	s5 =	simm.s32 $0xFFFFFFFF;
	p2 =	slt.u32 s8, $0xFFFFF086  }
0x1c: {  	p1 =	slt.u32 s9, $0xF7A;
	s5 =	simm.s32 @!p2 $0x0  }
0x1d: {  	s5 =	simm.s32 @p1 $0x1;
	p0 =	seq.s32 s7, s2  }
0x1e: {  	s7 =	smul.u32 @!p0 $0xF7A, s2;
	p2 =	seq.s32 @!p0 s5, $0x0  }
0x1f: {  	s9 =	smul.u32 $0xF7A, s1;
	s8 =	simm.s32 @!p0 $0x1BF5;
	p2 =	por !p2, p0  }
0x20: {  	[sflag:s8] =	ssyncset.s32 @!p0 $0xFFFFF086;
	s6 =	sadd.s32 @!p0 s3, s7;
	s7 =	simm.s32 @!p0 $0x108  }
0x21: {  	s3 =	sadd.s32 s3, s9;
	s6 =	sadd.s32 @!p0 $0x88, s6;
	s7 =	simm.s32 @p2 $0x1082  }
0x22: {  	[simem:s7], [sflag:s8] =	dma.local @!p0 [hbm:s6], $0xF7A  }
0x23: {  	s9 =	sor.u32 $0xD0000000, s2;
	s6 =	simm.s32 $0x108;
	_ =	swait.ge @!p0 [sflag:s8], $0x0  }
0x24: {  	s3 =	sadd.s32 $0x88, s3;
	s6 =	simm.s32 @!p1 $0x1082;
	[sflag:s4] =	ssyncset.s32 $0xFFFFF086  }
0x25: {  	[simem:s6], [sflag:s4] =	dma.local [hbm:s3], $0xF7A  }
0x26: {  	[smem:$0x3F9A] =	sst s1;
	(tag) =	ssettag s2;
	_ =	strace s9  }
0x27: {  	s1 =	sld [smem:$0x3FAA]  }
0x28: {  	s2 =	sld [smem:$0x3FAB]  }
0x29: {  	s4 =	sld [smem:$0x3FAD]  }
0x2a: {  	p0 =	seq.s32 s5, $0x0;
	s5 =	sld [smem:$0x3FAE]  }
0x2b: {  	s6 =	sld [smem:$0x3FAF]  }
0x2c: {  	s7 =	sld [smem:$0x3FB0]  }
0x2d: {  	s3 =	simm.s32 $0x108;
	s8 =	sld [smem:$0x3FB1]  }
0x2e: {  	s3 =	simm.s32 @!p0 $0x1082;
	s9 =	sld [smem:$0x3FB2]  }
0x2f: {  	lr =	sadd.s32 s0, s3;
	s0 =	sld [smem:$0x3FA9]  }
0x30: {  	s3 =	sld [smem:$0x3FAC]  }
0x31: {  	[smem:$0x3FB5] =	sst s10  }
0x32: {  	s10 =	sld [smem:$0x3FB3];
	_ =	sdelay $0x3  }
0x33: {  	p0 =	seq.s32 s10, $0x1;
	s10 =	sld [smem:$0x3FB5];
	_ =	sdelay $0x3  }
0x34: {  	[smem:$0x3FB5] =	sst s10  }
0x35: {  	s10 =	sld [smem:$0x3FB4];
	_ =	sdelay $0x3  }
0x36: {  	p1 =	seq.s32 s10, $0x1;
	s10 =	sld [smem:$0x3FB5];
	_ =	sdelay $0x3  }
0x37: {  	[smem:$0x3FB5] =	sst s10  }
0x38: {  	s10 =	sld [smem:$0x3FB6]  }
0x39: {  	_ = 	snop;
	(pc) =	sbr.ind lr, $3  }
0x3a: {  	_ = 	snop  }
0x3b: {  	_ = 	snop  }
0x3c: {  	p2 =	seq.s32 s10, $0x1;
	s10 =	sld [smem:$0x3FB5]  }
0x3d: {  	_ =	shalt  }
0x3e: {  	_ =	shalt  }
0x3f: {  	_ =	shalt  }
0x40: {  	_ =	shalt  }
0x41: {  	_ =	shalt  }
0x42: {  	_ =	shalt  }
0x43: {  	_ =	shalt  }
0x44: {  	_ =	shalt  }
0x45: {  	_ =	shalt  }
0x46: {  	_ =	shalt  }
0x47: {  	_ =	shalt  }
0x48: {  	_ =	shalt  }
0x49: {  	_ =	shalt  }
0x4a: {  	_ =	shalt  }
0x4b: {  	_ =	shalt  }
0x4c: {  	_ =	shalt  }
0x4d: {  	_ =	shalt  }
0x4e: {  	_ =	shalt  }
0x4f: {  	_ =	shalt  }
0x50: {  	_ =	shalt  }
0x51: {  	_ =	shalt  }
0x52: {  	_ =	shalt  }
0x53: {  	_ =	shalt  }
0x54: {  	_ =	shalt  }
0x55: {  	_ =	shalt  }
0x56: {  	_ =	shalt  }
0x57: {  	_ =	shalt  }
0x58: {  	_ =	shalt  }
0x59: {  	_ =	shalt  }
0x5a: {  	_ =	shalt  }
0x5b: {  	_ =	shalt  }
0x5c: {  	_ =	shalt  }
0x5d: {  	_ =	shalt  }
0x5e: {  	_ =	shalt  }
0x5f: {  	_ =	shalt  }
0x60: {  	_ =	shalt  }
0x61: {  	_ =	shalt  }
0x62: {  	_ =	shalt  }
0x63: {  	_ =	shalt  }
0x64: {  	_ =	shalt  }
0x65: {  	_ =	shalt  }
0x66: {  	_ =	shalt  }
0x67: {  	_ =	shalt  }
0x68: {  	_ =	shalt  }
0x69: {  	_ =	shalt  }
0x6a: {  	_ =	shalt  }
0x6b: {  	_ =	shalt  }
0x6c: {  	_ =	shalt  }
0x6d: {  	_ =	shalt  }
0x6e: {  	_ =	shalt  }
0x6f: {  	_ =	shalt  }
0x70: {  	_ =	shalt  }
0x71: {  	_ =	shalt  }
0x72: {  	_ =	shalt  }
0x73: {  	_ =	shalt  }
0x74: {  	_ =	shalt  }
0x75: {  	_ =	shalt  }
0x76: {  	_ =	shalt  }
0x77: {  	_ =	shalt  }
0x78: {  	_ =	shalt  }
0x79: {  	_ =	shalt  }
0x7a: {  	_ =	shalt  }
0x7b: {  	_ =	shalt  }
0x7c: {  	_ =	shalt  }
0x7d: {  	_ =	shalt  }
0x7e: {  	_ =	shalt  }
0x7f: {  	_ =	shalt  }
0x80: {  	_ =	shalt  }
0x81: {  	_ =	shalt  }
0x82: {  	_ =	shalt  }
0x83: {  	_ =	shalt  }
0x84: {  	_ =	shalt  }
0x85: {  	_ =	shalt  }
0x86: {  	_ =	shalt  }
0x87: {  	_ =	shalt  }
.Lfunc_end0:
.L_simem_size_0:
called_computation_lowered:
.L_overlay_start_0:
0x88: {  	s2 =	sld [smem:$0x3FD9]  }
0x89: {  	s3 =	sld [smem:$0x3FFE];
	_ =	sdelay $0x1  }
0x8a: {  	s1 =	srdreg.scid  }
0x8b: {  	s0 =	sand.u32 $0x1, s1  }
0x8c: {  	s16 =	sshll.u32 s0, $0xA;
	s2 =	sadd.s32 s3, s2  }
0x8d: {  	s2 =	sadd.s32 s2, s16  }
0x8e: {  	[smem:$0x3FC1] =	sst s2  }
0x8f: {  	_ = 	snop  }
0x90: {  	(tm) =	ssettm $0x1  }
0x91: {  	s17 =	sld [smem:$0x3FFB];
	_ =	sdelay $0x3  }
0x92: {  	_ =	strace s17  }
0x93: {  	s2 =	sld [smem:$0x3FFC];
	_ =	sdelay $0x3  }
0x94: {  	_ =	strace s2  }
0x95: {  	s2 =	sld [smem:$0x3FFD];
	_ =	sdelay $0x3  }
0x96: {  	_ =	strace s2  }
0x97: {  	_ =	strace $0x8FFFFFFF  }
0x98: {  	s18 =	sld [smem:$0x3FDB];
	_ =	sdelay $0x1  }
0x99: {  	s19 =	simm.s32 $_scs_section_size  }
0x9a: {  	s4 =	simm.s32 $_size__tile_overlayer_lowered;
	s5 =	simm.s32 $_tile_overlayer_lowered  }
0x9b: {  	s22 =	simm.s32 $0x1BFF;
	s21 =	sshll.u32 s5, $0x1;
	s2 =	sadd.s32 s19, s18  }
0x9c: {  	s6 =	simm.s32 $0x0;
	s20 =	sshll.u32 s4, $0x1;
	s4 =	sadd.s32 s21, s2  }
0x9d: {  	[timem:s6], [sflag:s22] =	dma.local [hbm:s4], s20  }
0x9e: {  	_ =	swait.ge [sflag:s22], s20  }
0x9f: {  	s3 =	ssub.s32 $0x0, s20;
	[sflag:s22] =	ssyncset.done $0x0  }
0xa0: {  	[sflag:s22] =	ssyncadd.s32 s3;
	_ =	sdelay $0x1  }
0xa1: {  	s23 =	simm.s32 $0x1B8B  }
0xa2: {  	_ =	swait.ge [sflag:s23], $0x1  }
0xa3: {  	[sflag:s23] =	ssyncset.done $0x0  }
0xa4: {  	s25 =	simm.s32 $0x1B8E;
	s24 =	sld [smem:$0x3FFE];
	[sflag:s23] =	ssyncadd.s32 $0xFFFFFFFF  }
0xa5: {  	s26 =	simm.s32 $execute0_lowered;
	[smem:$0x3FD2] =	sst s25  }
0xa6: {  	s4 =	sshll.u32 s26, $0x1;
	_ =	strace $0x80000046;
	[dreg:$0x1] =	wrdreg $0xFFFFFFFF  }
0xa7: {  	s28 =	simm.s32 $_size_execute0_lowered;
	s2 =	sadd.s32 s2, s4;
	[dreg:$0x0] =	wrdreg $0x0  }
0xa8: {  	s4 =	sshll.u32 s28, $0x1;
	[dreg:$0x2] =	wrdreg s2  }
0xa9: {  	[dreg:$0x3] =	wrdreg s4  }
0xaa: {  	[dreg:$0x4] =	wrdreg $0xC0  }
0xab: {  	_ =	task [dreg:s6], $0x5FFFF  }
0xac: {  	[dreg:$0x1] =	wrdreg $0xFFFFFFFF  }
0xad: {  	[dreg:$0x0] =	wrdreg $0x60  }
0xae: {  	[dreg:$0x2] =	wrdreg s24  }
0xaf: {  	[dreg:$0x3] =	wrdreg $0x9  }
0xb0: {  	_ =	task.clear_ibuf [dreg:s6], $0x4FFFF;
	_ =	strace $0x90000046  }
0xb1: {  	s29 =	simm.s32 $0x9;
	_ =	strace $0x80000048  }
0xb2: {  	_ =	swait.ge [sflag:s29], $0x1  }
0xb3: {  	[sflag:s29] =	ssyncadd.s32 $0xFFFFFFFF  }
0xb4: {  	_ =	strace $0x90000048  }
0xb5: {  	_ =	sfence  }
0xb6: {  	s30 =	sld [smem:$0x0];
	_ =	sdelay $0x2  }
0xb7: {  	s31 =	sshll.u32 s1, $0xD;
	s1 =	sshrl.u32 s1, $0x2  }
0xb8: {  	s3 =	sand.u32 $0x4000, s31;
	s1 =	sadd.s32 s1, s30  }
0xb9: {  	s0 =	sor.u32 s3, s0;
	s1 =	sshll.u32 s1, $0x11  }
0xba: {  	s0 =	sor.u32 s1, s0  }
0xbb: {  	s0 =	sadd.s32 $0x8F2B, s0  }
0xbc: {  	[sflag:s0] =	ssyncadd.remote.s32 $0x1  }
0xbd: {  	_ =	sfence.sel $0xFFFF  }
0xbe: {  	[dreg:$0x0] =	wrdreg $0xFFFFFFFF;
	(pc) =	sbr.abs _section_cstart, $3  }
0xbf: {  	[dreg:$0x1] =	wrdreg $0xFFFFFFFF  }
0xc0: {  	_ =	task.clear_ibuf [dreg:s6], $0x2FFFF;
	_ =	strace $0x9FFFFFFF  }
0xc1: {  	(tm) =	ssettm $0x7FFFFFFF  }
tec
execute0_lowered:
.L_overlay_start_1:
0x0: {  	(tag) =	ssettag $0x1  }
0x1: {  	s1 =	srdreg.scid  }
0x2: {  	s0 =	rddreg [dreg:$0x0];
	s3 =	stileid.u32;
	s1 =	sand.u32 $0x1, s1  }
0x3: {  	s2 =	simm.s32 $0x0;
	s3 =	sshll.u32 s3, $0x8;
	s4 =	sshll.u32 s1, $0x7  }
0x4: {  	s6 =	simm.s32 $0x1;
	[smem:$0x7FF] =	sst s2;
	s3 =	sor.u32 s4, s3  }
0x5: {  	s7 =	simm.s32 $0x8000;
	_ =	strace $0x80000047;
	s4 =	sshll.u32 s3, $0x5  }
0x6: {  	s1 =	ssub.s32 $0x2, s1;
	s3 =	sshll.u32 s3, $0x4;
	s4 =	sadd.s32 s4, s0  }
0x7: {  	v0 =	vimm.f32 $0.0e+00;
	v1 =	vimm.f32 $1.000000000e+00;
	vm0 =	vcmask $0x3F20;
	s5 =	sshrl.u32 s1, $0x1;
	s0 =	sadd.s32 s3, s0;
	s31 =	sadd.s32 $0x1200, s4  }
0x8: {  	vm1 =	vcmask $0x3F0C;
	vm2 =	vmmov $0x3ff;
	vm3 =	vcmask $0x70C;
	s1 =	ssub.s32 s1, s5;
	s0 =	sadd.s32 $0x21200, s0;
	[dreg:$0x2] =	wrdreg s31  }
0x9: {  	v2 =	vlaneseq.u32;
	vm4 =	vcmask $0x3F08;
	vm5 =	vcmask $0x3F04;
	s8 =	simm.s32 $0x0;
	s5 =	smax.u32 s1, $0x1;
	[dreg:$0x3] =	wrdreg s0  }
.LBB2_1:
0xa: {  	s0 =	rddreg [dreg:$0x2]  }
0xb: {  	[tilespmem:s2], [sflag:$0x1] =	stream.linear.gather [hbm4b:s0+s2], $0x8000, $0x38;
	[tilespmem:$0xC000] =	vst v63  }
0xc: {  	_ =	swait.ge [sflag:s6], $0x8000  }
0xd: {  	[sflag:s6] =	ssyncset.done $0x0  }
0xe: {  	s9 =	simm.s32 $0x8080;
	[sflag:s6] =	ssyncadd.s32 $0xFFFF8000  }
0xf: {  	s4 =	simm.s32 $0x0;
	[tilespmem:s9+$0xFFFFFF80] =	vst v0  }
0x10: {  	s1 =	sand.u32 $0x7800, s2;
	s0 =	sand.u32 $0x300, s4;
	[tilespmem:s9+$0xFFFFFF90] =	vst v0  }
0x11: {  	s17 =	sor.u32 s0, s1;
	[tilespmem:s9+$0xFFFFFFA0] =	vst v0  }
0x12: {  	v3 =	vld [tilespmem:s17+$0x0];
	_ =	sdelay $0x4  }
0x13: {  	v3 =	vadd.s32 $0x2, v3  }
0x14: {  	s16 =	simm.s32 $0x0;
	v4 =	vand.u32 $0xFFFFFF80, v3  }
0x15: {  	v3 =	vand.u32 $0x7F, v3;
	v4 =	vadd.s32 s16, v4  }
0x16: {  	v3 =	vor.u32 v3, v4;
	_ =	sdelay $0x4  }
0x17: {  	[tilespmem:v3+s7+$0x0] =	vst.idx.add.f32.msk $0xffff, v1  }
0x18: {  	v3 =	vld [tilespmem:s17+$0x10];
	_ =	sdelay $0x4  }
0x19: {  	v3 =	vadd.s32 $0x2, v3  }
0x1a: {  	v4 =	vand.u32 $0xFFFFFF80, v3  }
0x1b: {  	v3 =	vand.u32 $0x7F, v3;
	v4 =	vadd.s32 s16, v4  }
0x1c: {  	v3 =	vor.u32 v3, v4;
	_ =	sdelay $0x3  }
0x1d: {  	[tilespmem:s9+$0x0] =	vst v0  }
0x1e: {  	s10 =	simm.s32 $0x80;
	[tilespmem:v3+s7+$0x0] =	vst.idx.add.f32.msk $0xffff, v1  }
0x1f: {  	s0 =	sand.u32 $0x380, s10;
	[tilespmem:s9+$0x10] =	vst v0;
	v3 =	vld [tilespmem:s17+$0x20]  }
0x20: {  	s22 =	sor.u32 s0, s1;
	[tilespmem:s9+$0x20] =	vst v0  }
0x21: {  	v4 =	vld [tilespmem:s22+$0x0];
	_ =	sdelay $0x2  }
0x22: {  	v3 =	vadd.s32 $0x2, v3  }
0x23: {  	v5 =	vand.u32 $0xFFFFFF80, v3  }
0x24: {  	v4 =	vadd.s32 $0x2, v4;
	v3 =	vand.u32 $0x7F, v3;
	v5 =	vadd.s32 s16, v5  }
0x25: {  	s21 =	simm.s32 $0x80;
	v6 =	vand.u32 $0xFFFFFF80, v4;
	v3 =	vor.u32 v3, v5  }
0x26: {  	v4 =	vand.u32 $0x7F, v4;
	v5 =	vadd.s32 s21, v6  }
0x27: {  	v4 =	vor.u32 v4, v5;
	_ =	sdelay $0x2  }
0x28: {  	[tilespmem:v3+s7+$0x0] =	vst.idx.add.f32.msk $0xffff, v1  }
0x29: {  	v3 =	vld [tilespmem:s17+$0x30]  }
0x2a: {  	[tilespmem:v4+s7+$0x0] =	vst.idx.add.f32.msk $0xffff, v1  }
0x2b: {  	v4 =	vld [tilespmem:s22+$0x10];
	_ =	sdelay $0x2  }
0x2c: {  	v3 =	vadd.s32 $0x2, v3  }
0x2d: {  	v5 =	vand.u32 $0xFFFFFF80, v3  }
0x2e: {  	s10 =	simm.s32 $0x8180;
	v4 =	vadd.s32 $0x2, v4;
	v3 =	vand.u32 $0x7F, v3;
	v5 =	vadd.s32 s16, v5  }
0x2f: {  	s11 =	simm.s32 $0x100;
	s12 =	simm.s32 $0x200;
	[tilespmem:s10+$0xFFFFFF80] =	vst v0;
	v6 =	vand.u32 $0xFFFFFF80, v4;
	v3 =	vor.u32 v3, v5  }
0x30: {  	s1 =	sand.u32 $0x7800, s12;
	s0 =	sand.u32 $0x300, s11;
	[tilespmem:s10+$0xFFFFFF90] =	vst v0;
	v4 =	vand.u32 $0x7F, v4;
	v5 =	vadd.s32 s21, v6  }
0x31: {  	s23 =	sor.u32 s0, s1;
	[tilespmem:s10+$0xFFFFFFA0] =	vst v0;
	v4 =	vor.u32 v4, v5  }
0x32: {  	v5 =	vld [tilespmem:s23+$0x0];
	_ =	sdelay $0x1  }
0x33: {  	[tilespmem:v3+s7+$0x0] =	vst.idx.add.f32.msk $0xffff, v1  }
0x34: {  	v3 =	vld [tilespmem:s17+$0x40]  }
0x35: {  	[tilespmem:v4+s7+$0x0] =	vst.idx.add.f32.msk $0xffff, v1  }
0x36: {  	v5 =	vadd.s32 $0x2, v5;
	v4 =	vld [tilespmem:s22+$0x20]  }
0x37: {  	s13 =	simm.s32 $0x180;
	s25 =	simm.s32 $0x100;
	[tilespmem:s10+$0x0] =	vst v0;
	v6 =	vand.u32 $0xFFFFFF80, v5  }
0x38: {  	s0 =	sand.u32 $0x380, s13;
	[tilespmem:s10+$0x10] =	vst v0;
	v5 =	vand.u32 $0x7F, v5;
	v6 =	vadd.s32 s25, v6  }
0x39: {  	s26 =	sor.u32 s0, s1;
	[tilespmem:s10+$0x20] =	vst v0;
	v5 =	vor.u32 v5, v6;
	v3 =	vadd.s32 $0x2, v3  }
0x3a: {  	v6 =	vld [tilespmem:s26+$0x0];
	v7 =	vand.u32 $0xFFFFFF80, v3  }
0x3b: {  	v4 =	vadd.s32 $0x2, v4;
	v3 =	vand.u32 $0x7F, v3;
	v7 =	vadd.s32 s16, v7  }
0x3c: {  	v8 =	vand.u32 $0xFFFFFF80, v4;
	v3 =	vor.u32 v3, v7  }
0x3d: {  	v4 =	vand.u32 $0x7F, v4;
	v7 =	vadd.s32 s21, v8  }
0x3e: {  	[tilespmem:v5+s7+$0x0] =	vst.idx.add.f32.msk $0xffff, v1;
	v4 =	vor.u32 v4, v7  }
0x3f: {  	v5 =	vadd.s32 $0x2, v6;
	v6 =	vld [tilespmem:s23+$0x10]  }
0x40: {  	s28 =	simm.s32 $0x180;
	v7 =	vand.u32 $0xFFFFFF80, v5  }
0x41: {  	v5 =	vand.u32 $0x7F, v5;
	v7 =	vadd.s32 s28, v7;
	[tilespmem:v3+s7+$0x0] =	vst.idx.add.f32.msk $0xffff, v1  }
0x42: {  	v3 =	vor.u32 v5, v7;
	v5 =	vld [tilespmem:s17+$0x50]  }
0x43: {  	[tilespmem:v4+s7+$0x0] =	vst.idx.add.f32.msk $0xffff, v1  }
0x44: {  	v6 =	vadd.s32 $0x2, v6;
	v4 =	vld [tilespmem:s22+$0x30]  }
0x45: {  	v7 =	vand.u32 $0xFFFFFF80, v6  }
0x46: {  	v6 =	vand.u32 $0x7F, v6;
	v7 =	vadd.s32 s25, v7  }
0x47: {  	[tilespmem:v3+s7+$0x0] =	vst.idx.add.f32.msk $0xffff, v1;
	v3 =	vor.u32 v6, v7;
	v5 =	vadd.s32 $0x2, v5  }
0x48: {  	v6 =	vld [tilespmem:s26+$0x10];
	v7 =	vand.u32 $0xFFFFFF80, v5  }
0x49: {  	v4 =	vadd.s32 $0x2, v4;
	v5 =	vand.u32 $0x7F, v5;
	v7 =	vadd.s32 s16, v7  }
0x4a: {  	v8 =	vand.u32 $0xFFFFFF80, v4;
	v5 =	vor.u32 v5, v7  }
0x4b: {  	v4 =	vand.u32 $0x7F, v4;
	v7 =	vadd.s32 s21, v8  }
0x4c: {  	v4 =	vor.u32 v4, v7;
	[tilespmem:v3+s7+$0x0] =	vst.idx.add.f32.msk $0xffff, v1  }
0x4d: {  	v3 =	vadd.s32 $0x2, v6;
	v6 =	vld [tilespmem:s23+$0x20]  }
0x4e: {  	v7 =	vand.u32 $0xFFFFFF80, v3  }
0x4f: {  	v3 =	vand.u32 $0x7F, v3;
	v7 =	vadd.s32 s28, v7;
	[tilespmem:v5+s7+$0x0] =	vst.idx.add.f32.msk $0xffff, v1  }
0x50: {  	v3 =	vor.u32 v3, v7;
	v5 =	vld [tilespmem:s17+$0x60]  }
0x51: {  	[tilespmem:v4+s7+$0x0] =	vst.idx.add.f32.msk $0xffff, v1  }
0x52: {  	v4 =	vld [tilespmem:s22+$0x40];
	v6 =	vadd.s32 $0x2, v6  }
0x53: {  	v7 =	vand.u32 $0xFFFFFF80, v6  }
0x54: {  	v6 =	vand.u32 $0x7F, v6;
	v7 =	vadd.s32 s25, v7  }
0x55: {  	v6 =	vor.u32 v6, v7;
	[tilespmem:v3+s7+$0x0] =	vst.idx.add.f32.msk $0xffff, v1;
	v3 =	vadd.s32 $0x2, v5  }
0x56: {  	v5 =	vld [tilespmem:s26+$0x20];
	v7 =	vand.u32 $0xFFFFFF80, v3  }
0x57: {  	v4 =	vadd.s32 $0x2, v4;
	v3 =	vand.u32 $0x7F, v3;
	v7 =	vadd.s32 s16, v7  }
0x58: {  	v8 =	vand.u32 $0xFFFFFF80, v4;
	v3 =	vor.u32 v3, v7  }
0x59: {  	v4 =	vand.u32 $0x7F, v4;
	v7 =	vadd.s32 s21, v8  }
0x5a: {  	v4 =	vor.u32 v4, v7;
	[tilespmem:v6+s7+$0x0] =	vst.idx.add.f32.msk $0xffff, v1  }
0x5b: {  	v6 =	vld [tilespmem:s23+$0x30];
	v5 =	vadd.s32 $0x2, v5  }
0x5c: {  	v7 =	vand.u32 $0xFFFFFF80, v5  }
0x5d: {  	v5 =	vand.u32 $0x7F, v5;
	v7 =	vadd.s32 s28, v7;
	[tilespmem:v3+s7+$0x0] =	vst.idx.add.f32.msk $0xffff, v1  }
0x5e: {  	v3 =	vor.u32 v5, v7;
	v5 =	vld [tilespmem:s17+$0x70]  }
0x5f: {  	[tilespmem:v4+s7+$0x0] =	vst.idx.add.f32.msk $0xffff, v1  }
0x60: {  	v4 =	vld [tilespmem:s22+$0x50];
	v6 =	vadd.s32 $0x2, v6  }
0x61: {  	v7 =	vand.u32 $0xFFFFFF80, v6  }
0x62: {  	v6 =	vand.u32 $0x7F, v6;
	v7 =	vadd.s32 s25, v7  }
0x63: {  	s11 =	simm.s32 $0x8280;
	[tilespmem:v3+s7+$0x0] =	vst.idx.add.f32.msk $0xffff, v1;
	v3 =	vor.u32 v6, v7;
	v5 =	vadd.s32 $0x2, v5  }
0x64: {  	s14 =	simm.s32 $0x200;
	s15 =	simm.s32 $0x400;
	[tilespmem:s11+$0xFFFFFF80] =	vst v0;
	v6 =	vand.u32 $0xFFFFFF80, v5  }
0x65: {  	[tilespmem:s11+$0xFFFFFF90] =	vst v0;
	s1 =	sand.u32 $0x7800, s15;
	s0 =	sand.u32 $0x300, s14;
	v7 =	vld [tilespmem:s26+$0x30];
	v4 =	vadd.s32 $0x2, v4;
	v5 =	vand.u32 $0x7F, v5;
	v6 =	vadd.s32 s16, v6  }
0x66: {  	[tilespmem:s11+$0xFFFFFFA0] =	vst v0;
	s29 =	sor.u32 s0, s1;
	v8 =	vand.u32 $0xFFFFFF80, v4;
	v5 =	vor.u32 v5, v6  }
0x67: {  	v4 =	vand.u32 $0x7F, v4;
	v6 =	vadd.s32 s21, v8;
	v8 =	vld [tilespmem:s29+$0x0]  }
0x68: {  	v4 =	vor.u32 v4, v6;
	[tilespmem:v3+s7+$0x0] =	vst.idx.add.f32.msk $0xffff, v1  }
0x69: {  	v3 =	vld [tilespmem:s23+$0x40]  }
0x6a: {  	v6 =	vadd.s32 $0x2, v7  }
0x6b: {  	v7 =	vand.u32 $0xFFFFFF80, v6;
	[tilespmem:v5+s7+$0x0] =	vst.idx.add.f32.msk $0xffff, v1  }
0x6c: {  	v5 =	vand.u32 $0x7F, v6;
	v6 =	vadd.s32 s28, v7;
	v7 =	vadd.s32 $0x2, v8;
	v8 =	vld [tilespmem:s17+$0x400]  }
0x6d: {  	s14 =	simm.s32 $0x200;
	[tilespmem:v4+s7+$0x0] =	vst.idx.add.f32.msk $0xffff, v1;
	v4 =	vor.u32 v5, v6;
	v5 =	vand.u32 $0xFFFFFF80, v7  }
0x6e: {  	s18 =	simm.s32 $0x280;
	[tilespmem:s11+$0x0] =	vst v0;
	v6 =	vand.u32 $0x7F, v7;
	v5 =	vadd.s32 s14, v5;
	v3 =	vadd.s32 $0x2, v3  }
0x6f: {  	[tilespmem:s11+$0x10] =	vst v0;
	s0 =	sand.u32 $0x380, s18;
	v7 =	vld [tilespmem:s22+$0x60];
	v5 =	vor.u32 v6, v5;
	v6 =	vand.u32 $0xFFFFFF80, v3  }
0x70: {  	[tilespmem:s11+$0x20] =	vst v0;
	s15 =	sor.u32 s0, s1;
	v3 =	vand.u32 $0x7F, v3;
	v6 =	vadd.s32 s25, v6  }
0x71: {  	v9 =	vld [tilespmem:s15+$0x0];
	v3 =	vor.u32 v3, v6;
	v8 =	vadd.s32 $0x2, v8  }
0x72: {  	v6 =	vand.u32 $0xFFFFFF80, v8  }
0x73: {  	[tilespmem:v4+s7+$0x0] =	vst.idx.add.f32.msk $0xffff, v1;
	v4 =	vand.u32 $0x7F, v8;
	v6 =	vadd.s32 s16, v6  }
0x74: {  	v7 =	vadd.s32 $0x2, v7;
	[tilespmem:v5+s7+$0x0] =	vst.idx.add.f32.msk $0xffff, v1;
	v4 =	vor.u32 v4, v6  }
0x75: {  	v5 =	vand.u32 $0xFFFFFF80, v7;
	v6 =	vld [tilespmem:s29+$0x10]  }
0x76: {  	v8 =	vadd.s32 $0x2, v9;
	v7 =	vand.u32 $0x7F, v7;
	v5 =	vadd.s32 s21, v5;
	[tilespmem:v3+s7+$0x0] =	vst.idx.add.f32.msk $0xffff, v1  }
0x77: {  	s13 =	simm.s32 $0x280;
	v3 =	vor.u32 v7, v5;
	v5 =	vand.u32 $0xFFFFFF80, v8;
	v7 =	vld [tilespmem:s23+$0x50]  }
0x78: {  	v9 =	vld [tilespmem:s26+$0x40];
	v8 =	vand.u32 $0x7F, v8;
	v5 =	vadd.s32 s13, v5  }
0x79: {  	v5 =	vor.u32 v8, v5;
	[tilespmem:v4+s7+$0x0] =	vst.idx.add.f32.msk $0xffff, v1  }
0x7a: {  	v6 =	vadd.s32 $0x2, v6;
	v4 =	vld [tilespmem:s17+$0x410]  }
0x7b: {  	v8 =	vand.u32 $0xFFFFFF80, v6  }
0x7c: {  	[tilespmem:v3+s7+$0x0] =	vst.idx.add.f32.msk $0xffff, v1;
	v3 =	vand.u32 $0x7F, v6;
	v6 =	vadd.s32 s14, v8;
	v7 =	vadd.s32 $0x2, v7  }
0x7d: {  	v8 =	vld [tilespmem:s22+$0x70];
	v3 =	vor.u32 v3, v6;
	v6 =	vand.u32 $0xFFFFFF80, v7  }
0x7e: {  	v9 =	vadd.s32 $0x2, v9;
	[tilespmem:v5+s7+$0x0] =	vst.idx.add.f32.msk $0xffff, v1;
	v5 =	vand.u32 $0x7F, v7;
	v6 =	vadd.s32 s25, v6  }
0x7f: {  	v7 =	vand.u32 $0xFFFFFF80, v9;
	v10 =	vld [tilespmem:s15+$0x10];
	v5 =	vor.u32 v5, v6;
	v4 =	vadd.s32 $0x2, v4  }
0x80: {  	v7 =	vadd.s32 s28, v7;
	v6 =	vand.u32 $0x7F, v9;
	v9 =	vand.u32 $0xFFFFFF80, v4  }
0x81: {  	v6 =	vor.u32 v6, v7;
	v4 =	vand.u32 $0x7F, v4;
	v7 =	vadd.s32 s16, v9  }
0x82: {  	v8 =	vadd.s32 $0x2, v8;
	[tilespmem:v3+s7+$0x0] =	vst.idx.add.f32.msk $0xffff, v1;
	v4 =	vor.u32 v4, v7  }
0x83: {  	v3 =	vand.u32 $0xFFFFFF80, v8;
	v7 =	vld [tilespmem:s29+$0x20]  }
0x84: {  	v8 =	vand.u32 $0x7F, v8;
	v3 =	vadd.s32 s21, v3;
	v9 =	vadd.s32 $0x2, v10;
	[tilespmem:v5+s7+$0x0] =	vst.idx.add.f32.msk $0xffff, v1  }
0x85: {  	v3 =	vor.u32 v8, v3;
	v5 =	vand.u32 $0xFFFFFF80, v9;
	v8 =	vld [tilespmem:s23+$0x60]  }
0x86: {  	[tilespmem:v6+s7+$0x0] =	vst.idx.add.f32.msk $0xffff, v1;
	v6 =	vand.u32 $0x7F, v9;
	v5 =	vadd.s32 s13, v5  }
0x87: {  	[tilespmem:v4+s7+$0x0] =	vst.idx.add.f32.msk $0xffff, v1;
	v4 =	vor.u32 v6, v5  }
0x88: {  	v5 =	vld [tilespmem:s17+$0x420]  }
0x89: {  	v6 =	vld [tilespmem:s26+$0x50];
	v7 =	vadd.s32 $0x2, v7  }
0x8a: {  	[tilespmem:v3+s7+$0x0] =	vst.idx.add.f32.msk $0xffff, v1;
	v3 =	vand.u32 $0xFFFFFF80, v7;
	v8 =	vadd.s32 $0x2, v8  }
0x8b: {  	v7 =	vand.u32 $0x7F, v7;
	v9 =	vld [tilespmem:s22+$0x400];
	v3 =	vadd.s32 s14, v3;
	v10 =	vand.u32 $0xFFFFFF80, v8  }
0x8c: {  	v3 =	vor.u32 v7, v3;
	v7 =	vadd.s32 s25, v10;
	[tilespmem:v4+s7+$0x0] =	vst.idx.add.f32.msk $0xffff, v1;
	v4 =	vand.u32 $0x7F, v8  }
0x8d: {  	v5 =	vadd.s32 $0x2, v5;
	v8 =	vld [tilespmem:s15+$0x20];
	v4 =	vor.u32 v4, v7  }
0x8e: {  	v7 =	vand.u32 $0xFFFFFF80, v5  }
0x8f: {  	v6 =	vadd.s32 $0x2, v6;
	v5 =	vand.u32 $0x7F, v5;
	v7 =	vadd.s32 s16, v7  }
0x90: {  	v10 =	vand.u32 $0xFFFFFF80, v6;
	v5 =	vor.u32 v5, v7  }
0x91: {  	v6 =	vand.u32 $0x7F, v6;
	v9 =	vadd.s32 $0x2, v9;
	[tilespmem:v3+s7+$0x0] =	vst.idx.add.f32.msk $0xffff, v1;
	v7 =	vadd.s32 s28, v10  }
0x92: {  	v3 =	vor.u32 v6, v7;
	v6 =	vand.u32 $0xFFFFFF80, v9;
	v7 =	vadd.s32 $0x2, v8;
	[tilespmem:v4+s7+$0x0] =	vst.idx.add.f32.msk $0xffff, v1  }
0x93: {  	v4 =	vadd.s32 s21, v6;
	v6 =	vand.u32 $0x7F, v9;
	v8 =	vand.u32 $0xFFFFFF80, v7;
	v9 =	vld [tilespmem:s23+$0x70]  }
0x94: {  	v4 =	vor.u32 v6, v4;
	v6 =	vld [tilespmem:s29+$0x30];
	v7 =	vand.u32 $0x7F, v7;
	v8 =	vadd.s32 s13, v8  }
0x95: {  	[tilespmem:v5+s7+$0x0] =	vst.idx.add.f32.msk $0xffff, v1;
	v5 =	vor.u32 v7, v8  }
0x96: {  	v7 =	vld [tilespmem:s17+$0x430];
	_ =	sdelay $0x1  }
0x97: {  	[tilespmem:v3+s7+$0x0] =	vst.idx.add.f32.msk $0xffff, v1;
	v3 =	vadd.s32 $0x2, v9  }
0x98: {  	[tilespmem:v4+s7+$0x0] =	vst.idx.add.f32.msk $0xffff, v1;
	v4 =	vand.u32 $0xFFFFFF80, v3  }
0x99: {  	v6 =	vadd.s32 $0x2, v6;
	v3 =	vand.u32 $0x7F, v3;
	[tilespmem:v5+s7+$0x0] =	vst.idx.add.f32.msk $0xffff, v1;
	v4 =	vadd.s32 s25, v4  }
0x9a: {  	s12 =	simm.s32 $0x8380;
	v5 =	vand.u32 $0xFFFFFF80, v6;
	v7 =	vadd.s32 $0x2, v7;
	v8 =	vld [tilespmem:s15+$0x30];
	v3 =	vor.u32 v3, v4  }
0x9b: {  	s19 =	simm.s32 $0x300;
	s20 =	simm.s32 $0x600;
	[tilespmem:s12+$0xFFFFFF80] =	vst v0;
	v4 =	vand.u32 $0x7F, v6;
	v5 =	vadd.s32 s14, v5;
	v6 =	vand.u32 $0xFFFFFF80, v7  }
0x9c: {  	[tilespmem:s12+$0xFFFFFF90] =	vst v0;
	s1 =	sand.u32 $0x7800, s20;
	s0 =	sand.u32 $0x300, s19;
	v9 =	vld [tilespmem:s26+$0x60];
	v4 =	vor.u32 v4, v5;
	v5 =	vand.u32 $0x7F, v7;
	v6 =	vadd.s32 s16, v6  }
0x9d: {  	[tilespmem:s12+$0xFFFFFFA0] =	vst v0;
	s18 =	sor.u32 s0, s1;
	v7 =	vld [tilespmem:s22+$0x410];
	v5 =	vor.u32 v5, v6  }
0x9e: {  	v6 =	vld [tilespmem:s18+$0x0]  }
0x9f: {  	v8 =	vadd.s32 $0x2, v8;
	[tilespmem:v3+s7+$0x0] =	vst.idx.add.f32.msk $0xffff, v1  }
0xa0: {  	v3 =	vand.u32 $0xFFFFFF80, v8;
	v10 =	vld [tilespmem:s23+$0x400]  }
0xa1: {  	v9 =	vadd.s32 $0x2, v9;
	[tilespmem:v4+s7+$0x0] =	vst.idx.add.f32.msk $0xffff, v1;
	v4 =	vand.u32 $0x7F, v8;
	v3 =	vadd.s32 s13, v3  }
0xa2: {  	v8 =	vand.u32 $0xFFFFFF80, v9;
	[tilespmem:v5+s7+$0x0] =	vst.idx.add.f32.msk $0xffff, v1;
	v3 =	vor.u32 v4, v3  }
0xa3: {  	s24 =	simm.s32 $0x380;
	[tilespmem:s12+$0x0] =	vst v0;
	v4 =	vand.u32 $0x7F, v9;
	v5 =	vadd.s32 s28, v8;
	v8 =	vld [tilespmem:s29+$0x40];
	v6 =	vadd.s32 $0x2, v6  }
0xa4: {  	[tilespmem:s12+$0x10] =	vst v0;
	s0 =	sand.u32 $0x380, s24;
	v4 =	vor.u32 v4, v5;
	v5 =	vadd.s32 $0x2, v7;
	v7 =	vld [tilespmem:s17+$0x438];
	v9 =	vand.u32 $0xFFFFFF80, v6;
	s17 =	simm.s32 $0x300  }
0xa5: {  	[tilespmem:s12+$0x20] =	vst v0;
	s20 =	sor.u32 s0, s1;
	v6 =	vand.u32 $0x7F, v6;
	v9 =	vadd.s32 s17, v9;
	v10 =	vadd.s32 $0x2, v10  }
0xa6: {  	v12 =	vld [tilespmem:s20+$0x0];
	v6 =	vor.u32 v6, v9;
	v9 =	vand.u32 $0xFFFFFF80, v10  }
0xa7: {  	v11 =	vand.u32 $0xFFFFFF80, v5;
	[tilespmem:v3+s7+$0x0] =	vst.idx.add.f32.msk $0xffff, v1;
	v3 =	vand.u32 $0x7F, v10;
	v9 =	vadd.s32 s25, v9  }
0xa8: {  	v10 =	vadd.s32 s21, v11;
	v8 =	vadd.s32 $0x2, v8;
	v11 =	vld [tilespmem:s15+$0x40];
	v3 =	vor.u32 v3, v9  }
0xa9: {  	v5 =	vand.u32 $0x7F, v5;
	[tilespmem:v4+s7+$0x0] =	vst.idx.add.f32.msk $0xffff, v1;
	v4 =	vadd.s32 $0x2, v7;
	v7 =	vand.u32 $0xFFFFFF80, v8  }
0xaa: {  	v5 =	vor.u32 v5, v10;
	v8 =	vand.u32 $0x7F, v8;
	v10 =	vld [tilespmem:s26+$0x70];
	v7 =	vadd.s32 s14, v7  }
0xab: {  	v9 =	vand.u32 $0xFFFFFF80, v4;
	v7 =	vor.u32 v8, v7;
	[tilespmem:v6+s7+$0x0] =	vst.idx.add.f32.msk $0xffff, v1  }
0xac: {  	v4 =	vand.u32 $0x7F, v4;
	v9 =	vadd.s32 s16, v9;
	v6 =	vadd.s32 $0x2, v12;
	v8 =	vld [tilespmem:s18+$0x10]  }
0xad: {  	s19 =	simm.s32 $0x380;
	v4 =	vor.u32 v4, v9;
	v9 =	vand.u32 $0xFFFFFF80, v6;
	v11 =	vadd.s32 $0x2, v11;
	[tilespmem:v3+s7+$0x0] =	vst.idx.add.f32.msk $0xffff, v1  }
0xae: {  	v6 =	vand.u32 $0x7F, v6;
	v3 =	vadd.s32 s19, v9;
	v9 =	vand.u32 $0xFFFFFF80, v11;
	v12 =	vld [tilespmem:s23+$0x410]  }
0xaf: {  	[tilespmem:v5+s7+$0x0] =	vst.idx.add.f32.msk $0xffff, v1;
	v11 =	vand.u32 $0x7F, v11;
	v3 =	vor.u32 v6, v3;
	v6 =	vadd.s32 $0x2, v10  }
0xb0: {  	v5 =	vadd.s32 s13, v9;
	[tilespmem:v7+s7+$0x0] =	vst.idx.add.f32.msk $0xffff, v1;
	v7 =	vand.u32 $0xFFFFFF80, v6;
	v6 =	vand.u32 $0x7F, v6  }
0xb1: {  	v5 =	vor.u32 v11, v5;
	v7 =	vadd.s32 s28, v7;
	v9 =	vld [tilespmem:s29+$0x50];
	v8 =	vadd.s32 $0x2, v8  }
0xb2: {  	v10 =	vld [tilespmem:s22+$0x420];
	v6 =	vor.u32 v6, v7;
	v7 =	vand.u32 $0xFFFFFF80, v8  }
0xb3: {  	[tilespmem:v4+s7+$0x0] =	vst.idx.add.f32.msk vm0, v1;
	v4 =	vand.u32 $0x7F, v8;
	v7 =	vadd.s32 s17, v7;
	v8 =	vadd.s32 $0x2, v12  }
0xb4: {  	[tilespmem:v3+s7+$0x0] =	vst.idx.add.f32.msk $0xffff, v1;
	v3 =	vor.u32 v4, v7;
	v4 =	vand.u32 $0xFFFFFF80, v8  }
0xb5: {  	v7 =	vld [tilespmem:s20+$0x10];
	v8 =	vand.u32 $0x7F, v8;
	v4 =	vadd.s32 s25, v4  }
0xb6: {  	v9 =	vadd.s32 $0x2, v9;
	[tilespmem:v5+s7+$0x0] =	vst.idx.add.f32.msk $0xffff, v1;
	v4 =	vor.u32 v8, v4  }
0xb7: {  	v5 =	vand.u32 $0xFFFFFF80, v9;
	v8 =	vld [tilespmem:s15+$0x50]  }
0xb8: {  	v10 =	vadd.s32 $0x2, v10;
	v9 =	vand.u32 $0x7F, v9;
	[tilespmem:v6+s7+$0x0] =	vst.idx.add.f32.msk $0xffff, v1;
	v5 =	vadd.s32 s14, v5  }
0xb9: {  	v6 =	vand.u32 $0xFFFFFF80, v10;
	v5 =	vor.u32 v9, v5;
	[tilespmem:v3+s7+$0x0] =	vst.idx.add.f32.msk $0xffff, v1  }
0xba: {  	v6 =	vadd.s32 s21, v6;
	v3 =	vand.u32 $0x7F, v10;
	v7 =	vadd.s32 $0x2, v7;
	v9 =	vld [tilespmem:s18+$0x20]  }
0xbb: {  	v3 =	vor.u32 v3, v6;
	v6 =	vand.u32 $0xFFFFFF80, v7;
	[tilespmem:v4+s7+$0x0] =	vst.idx.add.f32.msk $0xffff, v1  }
0xbc: {  	v4 =	vand.u32 $0x7F, v7;
	v6 =	vadd.s32 s19, v6;
	v7 =	vld [tilespmem:s23+$0x420]  }
0xbd: {  	v10 =	vld [tilespmem:s26+$0x400];
	v8 =	vadd.s32 $0x2, v8;
	v4 =	vor.u32 v4, v6  }
0xbe: {  	v6 =	vand.u32 $0xFFFFFF80, v8;
	[tilespmem:v5+s7+$0x0] =	vst.idx.add.f32.msk $0xffff, v1  }
0xbf: {  	v5 =	vand.u32 $0x7F, v8;
	v6 =	vadd.s32 s13, v6;
	v8 =	vadd.s32 $0x2, v9;
	v9 =	vld [tilespmem:s29+$0x60]  }
0xc0: {  	[tilespmem:v3+s7+$0x0] =	vst.idx.add.f32.msk $0xffff, v1;
	v5 =	vor.u32 v5, v6;
	v3 =	vand.u32 $0xFFFFFF80, v8  }
0xc1: {  	v6 =	vld [tilespmem:s22+$0x430];
	v8 =	vand.u32 $0x7F, v8;
	v3 =	vadd.s32 s17, v3;
	v7 =	vadd.s32 $0x2, v7  }
0xc2: {  	v8 =	vor.u32 v8, v3;
	[tilespmem:v4+s7+$0x0] =	vst.idx.add.f32.msk $0xffff, v1;
	v3 =	vand.u32 $0xFFFFFF80, v7  }
0xc3: {  	v4 =	vld [tilespmem:s20+$0x20];
	v7 =	vand.u32 $0x7F, v7;
	v11 =	vadd.s32 s25, v3  }
0xc4: {  	v10 =	vadd.s32 $0x2, v10;
	v3 =	vld [tilespmem:s9+$0xFFFFFF80];
	v9 =	vadd.s32 $0x2, v9;
	v7 =	vor.u32 v7, v11  }
0xc5: {  	v12 =	vand.u32 $0xFFFFFF80, v10;
	[tilespmem:v5+s7+$0x0] =	vst.idx.add.f32.msk $0xffff, v1;
	v13 =	vand.u32 $0xFFFFFF80, v9  }
0xc6: {  	v10 =	vand.u32 $0x7F, v10;
	v11 =	vld [tilespmem:s9+$0xFFFFFF90];
	v5 =	vand.u32 $0x7F, v9;
	v9 =	vadd.s32 s14, v13  }
0xc7: {  	v12 =	vadd.s32 s28, v12;
	v6 =	vadd.s32 $0x2, v6;
	[tilespmem:v8+s7+$0x0] =	vst.idx.add.f32.msk $0xffff, v1;
	v5 =	vor.u32 v5, v9  }
0xc8: {  	v8 =	vor.u32 v10, v12;
	v9 =	vand.u32 $0xFFFFFF80, v6;
	v10 =	vld [tilespmem:s18+$0x30];
	v4 =	vadd.s32 $0x2, v4  }
0xc9: {  	v6 =	vand.u32 $0x7F, v6;
	v9 =	vadd.s32 s21, v9;
	v12 =	vand.u32 $0xFFFFFF80, v4;
	[tilespmem:v7+s7+$0x0] =	vst.idx.add.f32.msk $0xffff, v1  }
0xca: {  	v6 =	vor.u32 v6, v9;
	v4 =	vand.u32 $0x7F, v4;
	v7 =	vadd.s32 s19, v12;
	v9 =	vld [tilespmem:s23+$0x430]  }
0xcb: {  	v12 =	vld [tilespmem:s15+$0x60];
	v4 =	vor.u32 v4, v7  }
0xcc: {  	s16 =	simm.s32 $0x8480;
	[tilespmem:v5+s7+$0x0] =	vst.idx.add.f32.msk $0xffff, v1  }
0xcd: {  	[tilespmem:s16+$0xFFFFFF80] =	vst v0;
	v5 =	vld [tilespmem:s29+$0x70]  }
0xce: {  	[tilespmem:v8+s7+$0x0] =	vst.idx.add.f32.msk $0xffff, v1;
	v7 =	vadd.s32 $0x2, v10  }
0xcf: {  	v8 =	vand.u32 $0xFFFFFF80, v7;
	[tilespmem:v6+s7+$0x0] =	vst.idx.add.f32.msk $0xffff, v1;
	v9 =	vadd.s32 $0x2, v9  }
0xd0: {  	s3 =	simm.s32 $0x400;
	s4 =	simm.s32 $0x800;
	v6 =	vand.u32 $0x7F, v7;
	v7 =	vadd.s32 s17, v8;
	[tilespmem:v4+s7+$0x0] =	vst.idx.add.f32.msk $0xffff, v1;
	v4 =	vand.u32 $0xFFFFFF80, v9  }
0xd1: {  	s1 =	sand.u32 $0x7800, s4;
	s0 =	sand.u32 $0x300, s3;
	[tilespmem:s16+$0xFFFFFF90] =	vst v0;
	v6 =	vor.u32 v6, v7;
	v7 =	vld [tilespmem:s20+$0x30];
	v8 =	vand.u32 $0x7F, v9;
	v4 =	vadd.s32 s25, v4  }
0xd2: {  	[tilespmem:s16+$0xFFFFFFA0] =	vst v0;
	v13 =	vsel vm3, $0x0, v3;
	v14 =	vld [tilespmem:s22+$0x438];
	s22 =	sor.u32 s0, s1;
	v5 =	vadd.s32 $0x2, v5;
	v4 =	vor.u32 v8, v4  }
0xd3: {  	(xrf2) =	vadd.scan.msk.f32 $0xffff, v13;
	v13 =	vld [tilespmem:s22+$0x0];
	v10 =	vand.u32 $0xFFFFFF80, v5  }
0xd4: {  	vm6 =	vgt.f32 v3, $0.0e+00;
	v8 =	vld [tilespmem:s26+$0x410];
	v5 =	vand.u32 $0x7F, v5;
	v10 =	vadd.s32 s14, v10  }
0xd5: {  	vm7 =	vmand vm6, vm1;
	v12 =	vadd.s32 $0x2, v12;
	v9 =	vld [tilespmem:s9+$0xFFFFFFA0];
	v5 =	vor.u32 v5, v10  }
0xd6: {  	vm8 =	vgt.f32 v11, $0.0e+00;
	v10 =	vand.u32 $0xFFFFFF80, v12;
	[tilespmem:v6+s7+$0x0] =	vst.idx.add.f32.msk $0xffff, v1;
	v6 =	vadd.s32 $0x2, v7  }
0xd7: {  	v7 =	vand.u32 $0x7F, v12;
	v10 =	vadd.s32 s13, v10;
	v12 =	vand.u32 $0xFFFFFF80, v6;
	[tilespmem:v4+s7+$0x0] =	vst.idx.add.f32.msk $0xffff, v1  }
0xd8: {  	[tilespmem:s16+$0x0] =	vst v0;
	v6 =	vand.u32 $0x7F, v6;
	v4 =	vor.u32 v7, v10;
	v7 =	vadd.s32 s19, v12;
	v10 =	vld [tilespmem:s23+$0x438]  }
0xd9: {  	s24 =	simm.s32 $0x480;
	[tilespmem:s16+$0x10] =	vst v0;
	v11 =	vmpcnt.ones.xlane vm7;
	v8 =	vadd.s32 $0x2, v8;
	v12 =	vld [tilespmem:s18+$0x40];
	v6 =	vor.u32 v6, v7  }
0xda: {  	vm7 =	veq.s32 v2, $0x2;
	s0 =	sand.u32 $0x380, s24;
	vm6 =	vgt.f32 v9, $0.0e+00;
	v7 =	vand.u32 $0xFFFFFF80, v8;
	[tilespmem:v5+s7+$0x0] =	vst.idx.add.f32.msk $0xffff, v1  }
0xdb: {  	[tilespmem:s16+$0x20] =	vst v0;
	s24 =	sor.u32 s0, s1;
	v5 =	vand.u32 $0x7F, v8;
	v7 =	vadd.s32 s28, v7;
	v8 =	vadd.s32 $0x2, v13;
	v9 =	vld [tilespmem:s29+$0x400]  }
0xdc: {  	v3 =	vsel vm7, $0x0, v3;
	s23 =	simm.s32 $0x400;
	v13 =	vld [tilespmem:s24+$0x0];
	v5 =	vor.u32 v5, v7;
	v7 =	vand.u32 $0xFFFFFF80, v8  }
0xdd: {  	v8 =	vand.u32 $0x7F, v8;
	v7 =	vadd.s32 s23, v7;
	[tilespmem:v4+s7+$0x0] =	vst.idx.add.f32.msk $0xffff, v1;
	v4 =	vadd.s32 $0x2, v10  }
0xde: {  	v7 =	vor.u32 v8, v7;
	v8 =	vadd.s32 $0x2, v12;
	[tilespmem:v6+s7+$0x0] =	vst.idx.add.f32.msk $0xffff, v1;
	v6 =	vand.u32 $0xFFFFFF80, v4  }
0xdf: {  	v10 =	vmpcnt.ones.xlane vm8;
	v16 =	vld [tilespmem:s15+$0x70];
	v4 =	vand.u32 $0x7F, v4;
	v6 =	vadd.s32 s25, v6  }
0xe0: {  	v15 =	vand.u32 $0xFFFFFF80, v8;
	v12 =	vld [tilespmem:s20+$0x40];
	v9 =	vadd.s32 $0x2, v9;
	v4 =	vor.u32 v4, v6  }
0xe1: {  	[tilespmem:v5+s7+$0x0] =	vst.idx.add.f32.msk $0xffff, v1;
	v6 =	vand.u32 $0x7F, v8;
	v8 =	vadd.s32 s17, v15;
	v15 =	vand.u32 $0xFFFFFF80, v9  }
0xe2: {  	v5 =	vor.u32 v6, v8;
	v6 =	vand.u32 $0x7F, v9;
	v8 =	vadd.s32 s14, v15;
	v9 =	vld [tilespmem:s26+$0x420]  }
0xe3: {  	vm6 =	vmand vm6, vm2;
	[tilespmem:v7+s7+$0x0] =	vst.idx.add.f32.msk $0xffff, v1;
	v7 =	vadd.s32 $0x2, v13;
	v6 =	vor.u32 v6, v8  }
0xe4: {  	v10 =	vadd.s32 v11, v10;
	v11, _, _ =	vpop (xrf2);
	s25 =	simm.s32 $0x480;
	v8 =	vmpcnt.ones.xlane vm6;
	v13 =	vld [tilespmem:s22+$0x10];
	v15 =	vand.u32 $0xFFFFFF80, v7  }
0xe5: {  	v11 =	vsub.f32 $2.000000000e+02, v11;
	v7 =	vand.u32 $0x7F, v7;
	v15 =	vadd.s32 s25, v15;
	[tilespmem:v4+s7+$0x0] =	vst.idx.add.f32.msk vm0, v1  }
0xe6: {  	v7 =	vor.u32 v7, v15;
	v4 =	vadd.s32 v8, v10;
	v8 =	vadd.s32 $0x2, v12;
	v10 =	vld [tilespmem:s10+$0xFFFFFF80]  }
0xe7: {  	v11 =	vbroadcast v11, $0xF;
	v4 =	vcvt.s32.f32 v4;
	v12 =	vand.u32 $0xFFFFFF80, v8;
	[tilespmem:v5+s7+$0x0] =	vst.idx.add.f32.msk $0xffff, v1  }
0xe8: {  	v5 =	vand.u32 $0x7F, v8;
	v8 =	vadd.s32 s19, v12;
	v12 =	vadd.s32 $0x2, v16;
	[tilespmem:v6+s7+$0x0] =	vst.idx.add.f32.msk $0xffff, v1  }
0xe9: {  	v9 =	vadd.s32 $0x2, v9;
	v5 =	vor.u32 v5, v8;
	v6 =	vand.u32 $0xFFFFFF80, v12;
	v8 =	vld [tilespmem:s29+$0x410]  }
0xea: {  	v15 =	vld [tilespmem:s18+$0x50];
	v12 =	vand.u32 $0x7F, v12;
	v3 =	vsel vm4, v3, v4;
	v6 =	vadd.s32 s13, v6  }
0xeb: {  	[tilespmem:v7+s7+$0x0] =	vst.idx.add.f32.msk $0xffff, v1;
	v7 =	vand.u32 $0x7F, v9;
	v4 =	vor.u32 v12, v6;
	v6 =	vand.u32 $0xFFFFFF80, v9  }
0xec: {  	v3 =	vsel vm5, v3, v11;
	v11 =	vld [tilespmem:s10+$0xFFFFFF90];
	v9 =	vadd.s32 $0x2, v13;
	v6 =	vadd.s32 s28, v6  }
0xed: {  	v12 =	vld [tilespmem:s24+$0x10];
	v6 =	vor.u32 v7, v6;
	v7 =	vand.u32 $0xFFFFFF80, v9  }
0xee: {  	v13 =	vld [tilespmem:s10+$0xFFFFFFA0];
	v9 =	vand.u32 $0x7F, v9;
	v7 =	vadd.s32 s23, v7;
	v8 =	vadd.s32 $0x2, v8  }
0xef: {  	v59 =	vsel vm3, $0x0, v10;
	[tilespmem:v5+s7+$0x0] =	vst.idx.add.f32.msk $0xffff, v1;
	v7 =	vor.u32 v9, v7;
	v5 =	vand.u32 $0xFFFFFF80, v8  }
0xf0: {  	v9 =	vadd.s32 $0x2, v14;
	v14 =	vld [tilespmem:s20+$0x50];
	v8 =	vand.u32 $0x7F, v8;
	v5 =	vadd.s32 s14, v5  }
0xf1: {  	vm6 =	vgt.f32 v10, $0.0e+00;
	(xrf2) =	vadd.scan.msk.f32 $0xffff, v59;
	[tilespmem:v4+s7+$0x0] =	vst.idx.add.f32.msk $0xffff, v1;
	v5 =	vor.u32 v8, v5  }
0xf2: {  	v15 =	vadd.s32 $0x2, v15;
	vm6 =	vmand vm6, vm1;
	v60 =	vand.u32 $0xFFFFFF80, v9;
	v61 =	vld [tilespmem:s15+$0x400]  }
0xf3: {  	v4 =	vand.u32 $0x7F, v9;
	v9 =	vand.u32 $0xFFFFFF80, v15;
	v8 =	vadd.s32 s21, v60;
	[tilespmem:v6+s7+$0x0] =	vst.idx.add.f32.msk $0xffff, v1  }
0xf4: {  	v9 =	vadd.s32 s17, v9;
	v4 =	vor.u32 v4, v8;
	v8 =	vand.u32 $0x7F, v15;
	[tilespmem:v7+s7+$0x0] =	vst.idx.add.f32.msk $0xffff, v1  }
0xf5: {  	vm8 =	vgt.f32 v11, $0.0e+00;
	v6 =	vadd.s32 $0x2, v12;
	v8 =	vor.u32 v8, v9;
	v7 =	vld [tilespmem:s22+$0x20]  }
0xf6: {  	vm9 =	vgt.f32 v13, $0.0e+00;
	v9 =	vmpcnt.ones.xlane vm6;
	v12 =	vand.u32 $0xFFFFFF80, v6;
	[tilespmem:v5+s7+$0x0] =	vst.idx.add.f32.msk $0xffff, v1  }
0xf7: {  	v5 =	vand.u32 $0x7F, v6;
	v6 =	vadd.s32 s25, v12;
	v12 =	vadd.s32 $0x2, v14;
	v14 =	vld [tilespmem:s26+$0x430]  }
0xf8: {  	v11 =	vmpcnt.ones.xlane vm8;
	vm6 =	vmand vm9, vm2;
	v13 =	vld [tilespmem:s29+$0x420]  }
0xf9: {  	v15 =	vmpcnt.ones.xlane vm6;
	v5 =	vor.u32 v5, v6;
	v6 =	vand.u32 $0xFFFFFF80, v12;
	[tilespmem:v4+s7+$0x0] =	vst.idx.add.f32.msk vm0, v1  }
0xfa: {  	vm6 =	vmmov vm7;
	v12 =	vand.u32 $0x7F, v12;
	[tilespmem:v8+s7+$0x0] =	vst.idx.add.f32.msk $0xffff, v1;
	v6 =	vadd.s32 s19, v6  }
0xfb: {  	v8 =	vadd.s32 v9, v11;
	v9, _, _ =	vpop (xrf2);
	v11 =	vld [tilespmem:s18+$0x60];
	v6 =	vor.u32 v12, v6;
	v7 =	vadd.s32 $0x2, v7  }
0xfc: {  	v63 =	vld [tilespmem:s9+$0x20];
	v8 =	vadd.s32 v15, v8;
	v9 =	vsub.f32 $2.000000000e+02, v9;
	v12 =	vand.u32 $0xFFFFFF80, v7  }
0xfd: {  	v4 =	vand.u32 $0x7F, v7;
	v7 =	vadd.s32 s23, v12;
	v12 =	vadd.s32 $0x2, v13;
	v13 =	vld [tilespmem:s9+$0x0]  }
0xfe: {  	v8 =	vcvt.s32.f32 v8;
	[tilespmem:v5+s7+$0x0] =	vst.idx.add.f32.msk $0xffff, v1;
	v4 =	vor.u32 v4, v7;
	v5 =	vand.u32 $0xFFFFFF80, v12  }
0xff: {  	v7 =	vadd.s32 $0x2, v61;
	v15 =	vld [tilespmem:s24+$0x20];
	v12 =	vand.u32 $0x7F, v12;
	v5 =	vadd.s32 s14, v5  }
0x100: {  	v16 =	vand.u32 $0xFFFFFF80, v7;
	v11 =	vadd.s32 $0x2, v11;
	[tilespmem:v6+s7+$0x0] =	vst.idx.add.f32.msk $0xffff, v1;
	v5 =	vor.u32 v12, v5  }
0x101: {  	v7 =	vand.u32 $0x7F, v7;
	v6 =	vadd.s32 s13, v16;
	v12 =	vand.u32 $0xFFFFFF80, v11;
	v62 =	vld [tilespmem:s20+$0x60]  }
0x102: {  	v6 =	vor.u32 v7, v6;
	v7 =	vand.u32 $0x7F, v11;
	v11 =	vadd.s32 s17, v12;
	v12 =	vld [tilespmem:s9+$0x10]  }
0x103: {  	v9 =	vbroadcast v9, $0xF;
	v14 =	vadd.s32 $0x2, v14;
	[tilespmem:v4+s7+$0x0] =	vst.idx.add.f32.msk $0xffff, v1;
	v4 =	vor.u32 v7, v11  }
0x104: {  	v7 =	vsel vm7, $0x0, v10;
	v10 =	vand.u32 $0xFFFFFF80, v14;
	v15 =	vadd.s32 $0x2, v15;
	v11 =	vld [tilespmem:s22+$0x30]  }
0x105: {  	v14 =	vand.u32 $0x7F, v14;
	v10 =	vadd.s32 s28, v10;
	[tilespmem:v5+s7+$0x0] =	vst.idx.add.f32.msk $0xffff, v1;
	v5 =	vand.u32 $0xFFFFFF80, v15  }
0x106: {  	[tilespmem:s9+$0xFFFFFF80] =	vst v3;
	v10 =	vor.u32 v14, v10;
	v14 =	vand.u32 $0x7F, v15;
	v5 =	vadd.s32 s25, v5;
	v15 =	vld [tilespmem:s29+$0x430]  }
0x107: {  	vm8 =	vgt.f32 v13, $0.0e+00;
	v3 =	vsel vm6, $0x0, v13;
	[tilespmem:v6+s7+$0x0] =	vst.idx.add.f32.msk $0xffff, v1;
	v5 =	vor.u32 v14, v5  }
0x108: {  	vm8 =	vmand vm8, vm1;
	v7 =	vsel vm4, v7, v8;
	v8 =	vadd.s32 $0x2, v62;
	[tilespmem:v4+s7+$0x0] =	vst.idx.add.f32.msk $0xffff, v1  }
0x109: {  	v6 =	vsel vm5, v7, v9;
	v7 =	vsel vm3, $0x0, v13;
	vm15 =	vgt.f32 v12, $0.0e+00;
	v9 =	vld [tilespmem:s18+$0x70]  }
0x10a: {  	(xrf2) =	vadd.scan.msk.f32 $0xffff, v7;
	v4 =	vand.u32 $0xFFFFFF80, v8;
	v8 =	vand.u32 $0x7F, v8;
	v7 =	vadd.s32 $0x2, v11;
	v11 =	vld [tilespmem:s15+$0x410]  }
0x10b: {  	v4 =	vadd.s32 s19, v4;
	v12 =	vand.u32 $0xFFFFFF80, v7;
	[tilespmem:v10+s7+$0x0] =	vst.idx.add.f32.msk $0xffff, v1;
	v14 =	vadd.s32 $0x2, v15  }
0x10c: {  	v7 =	vand.u32 $0x7F, v7;
	v10 =	vadd.s32 s23, v12;
	[tilespmem:v5+s7+$0x0] =	vst.idx.add.f32.msk $0xffff, v1;
	v5 =	vand.u32 $0xFFFFFF80, v14  }
0x10d: {  	s21 =	simm.s32 $0x8580;
	v7 =	vor.u32 v7, v10;
	v12 =	vand.u32 $0x7F, v14;
	v10 =	vld [tilespmem:s24+$0x30];
	v5 =	vadd.s32 s14, v5  }
0x10e: {  	s31 =	simm.s32 $0xA00;
	s3 =	simm.s32 $0x500;
	[tilespmem:s21+$0xFFFFFF80] =	vst v0;
	v8 =	vor.u32 v8, v4;
	v4 =	vadd.s32 $0x2, v9;
	v5 =	vor.u32 v12, v5  }
0x10f: {  	s4 =	sand.u32 $0x7800, s31;
	s0 =	sand.u32 $0x300, s3;
	[tilespmem:s21+$0xFFFFFF90] =	vst v0;
	v14 =	vld [tilespmem:s26+$0x438];
	v9 =	vmpcnt.ones.xlane vm8;
	v12 =	vmpcnt.ones.xlane vm15;
	v15 =	vand.u32 $0xFFFFFF80, v4  }
0x110: {  	[tilespmem:s21+$0xFFFFFFA0] =	vst v0;
	s26 =	sor.u32 s0, s4;
	v11 =	vadd.s32 $0x2, v11;
	v4 =	vand.u32 $0x7F, v4;
	v15 =	vadd.s32 s17, v15  }
0x111: {  	[tilespmem:s21+$0x0] =	vst v0;
	vm8 =	vgt.f32 v63, $0.0e+00;
	v13 =	vand.u32 $0xFFFFFF80, v11;
	v4 =	vor.u32 v4, v15;
	v15 =	vld [tilespmem:s26+$0x0]  }
0x112: {  	v11 =	vand.u32 $0x7F, v11;
	v13 =	vadd.s32 s13, v13;
	[tilespmem:v7+s7+$0x0] =	vst.idx.add.f32.msk $0xffff, v1;
	v7 =	vadd.s32 $0x2, v10  }
0x113: {  	v17 =	vadd.s32 v9, v12;
	v9 =	vor.u32 v11, v13;
	v10 =	vand.u32 $0xFFFFFF80, v7;
	[tilespmem:v5+s7+$0x0] =	vst.idx.add.f32.msk $0xffff, v1  }
0x114: {  	[tilespmem:s21+$0x10] =	vst v0;
	v12 =	vadd.s32 $0x2, v14;
	v7 =	vand.u32 $0x7F, v7;
	v10 =	vadd.s32 s25, v10;
	v13 =	vld [tilespmem:s29+$0x438]  }
0x115: {  	[tilespmem:s10+$0xFFFFFF80] =	vst v6;
	vm8 =	vmand vm8, vm2;
	v14 =	vand.u32 $0xFFFFFF80, v12;
	v11 =	vld [tilespmem:s22+$0x40];
	v18 =	vor.u32 v7, v10  }
0x116: {  	s0 =	simm.s32 $0x580;
	v6 =	vmpcnt.ones.xlane vm8;
	v7 =	vand.u32 $0x7F, v12;
	v10 =	vadd.s32 s28, v14;
	[tilespmem:v4+s7+$0x0] =	vst.idx.add.f32.msk $0xffff, v1  }
0x117: {  	[tilespmem:s21+$0x20] =	vst v0;
	v5, _, _ =	vpop (xrf2);
	s29 =	sand.u32 $0x380, s0;
	v4 =	vor.u32 v7, v10;
	v7 =	vadd.s32 $0x2, v15;
	v10 =	vld [tilespmem:s18+$0x400]  }
0x118: {  	s30 =	simm.s32 $0x500;
	[tilespmem:v8+s7+$0x0] =	vst.idx.add.f32.msk $0xffff, v1;
	v6 =	vadd.s32 v6, v17;
	v5 =	vsub.f32 $2.000000000e+02, v5;
	s28 =	sor.u32 s29, s4;
	v14 =	vand.u32 $0xFFFFFF80, v7  }
0x119: {  	v12 =	vld [tilespmem:s28+$0x0];
	v15 =	vand.u32 $0x7F, v7;
	v14 =	vadd.s32 s30, v14;
	v7 =	vadd.s32 $0x2, v13  }
0x11a: {  	s1 =	simm.s32 $0xC;
	s29 =	simm.s32 $0x580;
	v5 =	vbroadcast v5, $0xF;
	v13 =	vor.u32 v15, v14;
	[tilespmem:v18+s7+$0x0] =	vst.idx.add.f32.msk $0xffff, v1;
	v8 =	vand.u32 $0xFFFFFF80, v7  }
.LBB2_2:
0x11b: {  	p0 =	slt.u32 s1, $0x7E;
	v11 =	vadd.s32 $0x2, v11;
	v14 =	vld [tilespmem:s24+$0x40];
	v7 =	vand.u32 $0x7F, v7;
	v8 =	vadd.s32 s14, v8;
	s14 =	smov.u32 s17;
	s17 =	smov.u32 s23  }
0x11c: {  	s23 =	smov.u32 s30;
	v15 =	vand.u32 $0xFFFFFF80, v11;
	v10 =	vadd.s32 $0x2, v10;
	v16 =	vld [tilespmem:s20+$0x70];
	v7 =	vor.u32 v7, v8  }
0x11d: {  	v8 =	vand.u32 $0x7F, v11;
	v11 =	vadd.s32 s17, v15;
	v15 =	vand.u32 $0xFFFFFF80, v10;
	[tilespmem:v9+s7+$0x0] =	vst.idx.add.f32.msk $0xffff, v1  }
0x11e: {  	v9 =	vand.u32 $0x7F, v10;
	v8 =	vor.u32 v8, v11;
	v10 =	vadd.s32 s14, v15;
	v11 =	vld [tilespmem:s15+$0x420]  }
0x11f: {  	v6 =	vcvt.s32.f32 v6;
	v12 =	vadd.s32 $0x2, v12;
	[tilespmem:v13+s7+$0x0] =	vst.idx.add.f32.msk $0xffff, v1;
	v9 =	vor.u32 v9, v10  }
0x120: {  	v13 =	vand.u32 $0xFFFFFF80, v12;
	v12 =	vand.u32 $0x7F, v12;
	v10 =	vld [tilespmem:s26+$0x10];
	v14 =	vadd.s32 $0x2, v14  }
0x121: {  	v13 =	vadd.s32 s29, v13;
	v15 =	vand.u32 $0xFFFFFF80, v14;
	v14 =	vand.u32 $0x7F, v14;
	[tilespmem:v7+s7+$0x0] =	vst.idx.add.f32.msk vm0, v1  }
0x122: {  	v7 =	vor.u32 v12, v13;
	v13 =	vadd.s32 $0x2, v16;
	v12 =	vadd.s32 s25, v15;
	v15 =	vld [tilespmem:s11+$0xFFFFFF80]  }
0x123: {  	[tilespmem:v8+s7+$0x0] =	vst.idx.add.f32.msk $0xffff, v1;
	v8 =	vor.u32 v14, v12;
	v12 =	vand.u32 $0xFFFFFF80, v13;
	v13 =	vand.u32 $0x7F, v13  }
0x124: {  	v3 =	vsel vm4, v3, v6;
	v11 =	vadd.s32 $0x2, v11;
	[tilespmem:v9+s7+$0x0] =	vst.idx.add.f32.msk $0xffff, v1;
	v9 =	vadd.s32 s19, v12  }
0x125: {  	v12 =	vand.u32 $0xFFFFFF80, v11;
	v11 =	vand.u32 $0x7F, v11;
	v6 =	vld [tilespmem:s18+$0x410];
	v9 =	vor.u32 v13, v9  }
0x126: {  	v3 =	vsel vm5, v3, v5;
	v12 =	vadd.s32 s13, v12;
	v13 =	vld [tilespmem:s22+$0x50]  }
0x127: {  	[tilespmem:v7+s7+$0x0] =	vst.idx.add.f32.msk $0xffff, v1;
	v5 =	vsel vm3, $0x0, v15;
	v7 =	vor.u32 v11, v12  }
0x128: {  	v10 =	vadd.s32 $0x2, v10;
	v11 =	vld [tilespmem:s28+$0x10];
	(xrf2) =	vadd.scan.msk.f32 $0xffff, v5;
	[tilespmem:s9+$0x0] =	vst v3;
	s9 =	smov.u32 s10;
	s10 =	smov.u32 s11;
	s11 =	smov.u32 s12  }
0x129: {  	v3 =	vand.u32 $0xFFFFFF80, v10;
	s12 =	smov.u32 s16;
	s16 =	smov.u32 s21;
	v5 =	vld [tilespmem:s10+$0xFFFFFF90]  }
0x12a: {  	v10 =	vand.u32 $0x7F, v10;
	v3 =	vadd.s32 s23, v3;
	v6 =	vadd.s32 $0x2, v6;
	v12 =	vld [tilespmem:s10+$0xFFFFFFA0]  }
0x12b: {  	v3 =	vor.u32 v10, v3;
	v10 =	vadd.s32 $0x2, v13;
	[tilespmem:v8+s7+$0x0] =	vst.idx.add.f32.msk $0xffff, v1;
	v8 =	vand.u32 $0xFFFFFF80, v6  }
0x12c: {  	v6 =	vand.u32 $0x7F, v6;
	v13 =	vand.u32 $0xFFFFFF80, v10;
	v14 =	vld [tilespmem:s24+$0x50];
	v8 =	vadd.s32 s14, v8  }
0x12d: {  	v10 =	vand.u32 $0x7F, v10;
	v13 =	vadd.s32 s17, v13;
	v6 =	vor.u32 v6, v8;
	[tilespmem:v9+s7+$0x0] =	vst.idx.add.f32.msk $0xffff, v1  }
0x12e: {  	vm8 =	vgt.f32 v15, $0.0e+00;
	v8 =	vadd.s32 $0x2, v11;
	v9 =	vor.u32 v10, v13;
	v10 =	vld [tilespmem:s20+$0x400]  }
0x12f: {  	vm8 =	vmand vm8, vm1;
	vm9 =	vgt.f32 v5, $0.0e+00;
	vm10 =	vgt.f32 v12, $0.0e+00;
	[tilespmem:v7+s7+$0x0] =	vst.idx.add.f32.msk $0xffff, v1  }
0x130: {  	v16 =	vmpcnt.ones.xlane vm9;
	[tilespmem:v3+s7+$0x0] =	vst.idx.add.f32.msk $0xffff, v1;
	v3 =	vmpcnt.ones.xlane vm8;
	vm8 =	vmand vm10, vm2  }
0x131: {  	v11 =	vand.u32 $0xFFFFFF80, v8;
	v8 =	vand.u32 $0x7F, v8;
	v7 =	vld [tilespmem:s26+$0x20];
	v12 =	vmpcnt.ones.xlane vm8  }
0x132: {  	v11 =	vadd.s32 s29, v11;
	v13 =	vadd.s32 $0x2, v14;
	[tilespmem:v6+s7+$0x0] =	vst.idx.add.f32.msk $0xffff, v1;
	v3 =	vadd.s32 v3, v16;
	v5, _, _ =	vpop (xrf2)  }
0x133: {  	v6 =	vor.u32 v8, v11;
	v8 =	vld [tilespmem:s18+$0x420];
	v3 =	vadd.s32 v12, v3;
	v5 =	vsub.f32 $2.000000000e+02, v5  }
0x134: {  	v11 =	vand.u32 $0xFFFFFF80, v13;
	v12 =	vand.u32 $0x7F, v13;
	v3 =	vcvt.s32.f32 v3;
	v13 =	vld [tilespmem:s15+$0x430]  }
0x135: {  	[tilespmem:v9+s7+$0x0] =	vst.idx.add.f32.msk $0xffff, v1;
	v9 =	vadd.s32 s25, v11;
	v5 =	vbroadcast v5, $0xF;
	v11 =	vsel vm7, $0x0, v15  }
0x136: {  	v7 =	vadd.s32 $0x2, v7;
	v14 =	vld [tilespmem:s22+$0x60];
	v9 =	vor.u32 v12, v9;
	v3 =	vsel vm4, v11, v3  }
0x137: {  	v10 =	vadd.s32 $0x2, v10;
	v11 =	vand.u32 $0xFFFFFF80, v7;
	v3 =	vsel vm5, v3, v5;
	[tilespmem:v4+s7+$0x0] =	vst.idx.add.f32.msk vm0, v1  }
0x138: {  	v4 =	vand.u32 $0x7F, v7;
	v5 =	vadd.s32 s23, v11;
	v7 =	vadd.s32 $0x2, v8;
	[tilespmem:s10+$0xFFFFFF80] =	vst v3;
	v3 =	vld [tilespmem:s9+$0x0]  }
0x139: {  	v4 =	vor.u32 v4, v5;
	[tilespmem:v6+s7+$0x0] =	vst.idx.add.f32.msk $0xffff, v1;
	v5 =	vand.u32 $0xFFFFFF80, v7;
	v6 =	vand.u32 $0xFFFFFF80, v10  }
0x13a: {  	v7 =	vand.u32 $0x7F, v7;
	v8 =	vld [tilespmem:s28+$0x20];
	v5 =	vadd.s32 s14, v5;
	v6 =	vadd.s32 s19, v6  }
0x13b: {  	v11 =	vadd.s32 $0x2, v14;
	[tilespmem:v9+s7+$0x0] =	vst.idx.add.f32.msk $0xffff, v1;
	v5 =	vor.u32 v7, v5;
	v7 =	vand.u32 $0x7F, v10  }
0x13c: {  	v9 =	vand.u32 $0xFFFFFF80, v11;
	v10 =	vld [tilespmem:s24+$0x60];
	v6 =	vor.u32 v7, v6;
	v7 =	vadd.s32 $0x2, v13  }
0x13d: {  	v11 =	vand.u32 $0x7F, v11;
	v9 =	vadd.s32 s17, v9;
	v12 =	vand.u32 $0xFFFFFF80, v7;
	v13 =	vld [tilespmem:s9+$0x10]  }
0x13e: {  	v7 =	vand.u32 $0x7F, v7;
	[tilespmem:v4+s7+$0x0] =	vst.idx.add.f32.msk $0xffff, v1;
	v4 =	vor.u32 v11, v9;
	v9 =	vadd.s32 s13, v12  }
0x13f: {  	v11 =	vld [tilespmem:s26+$0x30];
	v8 =	vadd.s32 $0x2, v8;
	v7 =	vor.u32 v7, v9;
	v9 =	vsel vm3, $0x0, v3  }
0x140: {  	v12 =	vand.u32 $0xFFFFFF80, v8;
	v8 =	vand.u32 $0x7F, v8;
	[tilespmem:v5+s7+$0x0] =	vst.idx.add.f32.msk $0xffff, v1;
	(xrf2) =	vadd.scan.msk.f32 $0xffff, v9  }
0x141: {  	vm8 =	vgt.f32 v3, $0.0e+00;
	v5 =	vadd.s32 s29, v12;
	v9 =	vadd.s32 $0x2, v10;
	v10 =	vld [tilespmem:s18+$0x430]  }
0x142: {  	v5 =	vor.u32 v8, v5;
	v8 =	vand.u32 $0xFFFFFF80, v9;
	v9 =	vand.u32 $0x7F, v9;
	[tilespmem:v6+s7+$0x0] =	vst.idx.add.f32.msk $0xffff, v1  }
0x143: {  	vm8 =	vmand vm8, vm1;
	vm9 =	vgt.f32 v13, $0.0e+00;
	[tilespmem:v4+s7+$0x0] =	vst.idx.add.f32.msk $0xffff, v1;
	v4 =	vadd.s32 s25, v8  }
0x144: {  	v6 =	vld [tilespmem:s22+$0x70];
	v8 =	vor.u32 v9, v4;
	v4 =	vmpcnt.ones.xlane vm8;
	v9 =	vmpcnt.ones.xlane vm9  }
0x145: {  	v3 =	vsel vm6, $0x0, v3;
	vm6 =	vmmov vm7;
	v11 =	vadd.s32 $0x2, v11;
	v12 =	vld [tilespmem:s20+$0x410]  }
0x146: {  	v13 =	vand.u32 $0xFFFFFF80, v11;
	v10 =	vadd.s32 $0x2, v10;
	[tilespmem:v7+s7+$0x0] =	vst.idx.add.f32.msk $0xffff, v1;
	v14 =	vadd.s32 v4, v9  }
0x147: {  	v4 =	vand.u32 $0x7F, v11;
	v7 =	vadd.s32 s23, v13;
	[tilespmem:v5+s7+$0x0] =	vst.idx.add.f32.msk $0xffff, v1;
	v5 =	vand.u32 $0xFFFFFF80, v10  }
0x148: {  	s0 =	sadd.s32 $0x100, s0;
	s21 =	sadd.s32 $0x100, s21;
	v4 =	vor.u32 v4, v7;
	v9 =	vand.u32 $0x7F, v10;
	v7 =	vld [tilespmem:s28+$0x30];
	v5 =	vadd.s32 s14, v5  }
0x149: {  	s31 =	sadd.s32 $0x200, s31;
	s30 =	sadd.s32 $0xFFFFFF80, s0;
	s3 =	sand.u32 $0x380, s0;
	[tilespmem:s21+$0xFFFFFF80] =	vst v0;
	v6 =	vadd.s32 $0x2, v6;
	v5 =	vor.u32 v9, v5;
	v10 =	vld [tilespmem:s15+$0x438]  }
0x14a: {  	s4 =	sand.u32 $0x7800, s31;
	s30 =	sand.u32 $0x300, s30;
	s15 =	smov.u32 s20;
	[tilespmem:s21+$0xFFFFFF90] =	vst v0;
	v9 =	vand.u32 $0xFFFFFF80, v6;
	v11 =	vadd.s32 $0x2, v12;
	v12 =	vld [tilespmem:s9+$0x20];
	v13, _, _ =	vpop (xrf2)  }
0x14b: {  	s3 =	sor.u32 s3, s4;
	s30 =	sor.u32 s30, s4;
	s20 =	smov.u32 s24;
	v6 =	vand.u32 $0x7F, v6;
	[tilespmem:s21+$0xFFFFFFA0] =	vst v0;
	v9 =	vadd.s32 s17, v9;
	v15 =	vand.u32 $0xFFFFFF80, v11  }
0x14c: {  	s24 =	smov.u32 s28;
	s28 =	smov.u32 s3;
	v16 =	vld [tilespmem:s30+$0x0];
	[tilespmem:s21+$0x0] =	vst v0;
	v6 =	vor.u32 v6, v9;
	v9 =	vand.u32 $0x7F, v11;
	v11 =	vadd.s32 s19, v15  }
0x14d: {  	[tilespmem:v4+s7+$0x0] =	vst.idx.add.f32.msk $0xffff, v1;
	v4 =	vadd.s32 $0x2, v7;
	v9 =	vor.u32 v9, v11;
	v7 =	vsub.f32 $2.000000000e+02, v13  }
0x14e: {  	v11 =	vand.u32 $0xFFFFFF80, v4;
	v4 =	vand.u32 $0x7F, v4;
	[tilespmem:v5+s7+$0x0] =	vst.idx.add.f32.msk $0xffff, v1;
	v5 =	vadd.s32 $0x2, v10  }
0x14f: {  	[tilespmem:s21+$0x10] =	vst v0;
	v10 =	vadd.s32 s29, v11;
	v13 =	vld [tilespmem:s18+$0x438];
	v15 =	vand.u32 $0xFFFFFF80, v5;
	v5 =	vand.u32 $0x7F, v5;
	s18 =	smov.u32 s22;
	s22 =	smov.u32 s26;
	s26 =	smov.u32 s30  }
0x150: {  	vm8 =	vgt.f32 v12, $0.0e+00;
	[tilespmem:s21+$0x20] =	vst v0;
	v11 =	vld [tilespmem:s22+$0x40];
	v17 =	vor.u32 v4, v10;
	v4 =	vadd.s32 s13, v15;
	s13 =	smov.u32 s19;
	s19 =	smov.u32 s25;
	s25 =	smov.u32 s29  }
.Ltmp0:
0x151: {  	vm8 =	vmand vm8, vm2;
	[tilespmem:v6+s7+$0x0] =	vst.idx.add.f32.msk $0xffff, v1;
	v4 =	vor.u32 v5, v4;
	v5 =	vbroadcast v7, $0xF;
	(pc) =	sbr.rel @p0 .LBB2_2-.Ltmp0, $4  }
0x152: {  	v6 =	vadd.s32 $0x2, v16;
	v15 =	vmpcnt.ones.xlane vm8;
	v10 =	vld [tilespmem:s18+$0x400]  }
0x153: {  	s30 =	sshll.u32 s1, $0x7;
	v7 =	vand.u32 $0xFFFFFF80, v6;
	v12 =	vld [tilespmem:s28+$0x0]  }
0x154: {  	s29 =	sadd.s32 $0x80, s30;
	v6 =	vand.u32 $0x7F, v6;
	v16 =	vadd.s32 s30, v7;
	[tilespmem:v8+s7+$0x0] =	vst.idx.add.f32.msk $0xffff, v1;
	v7 =	vadd.s32 $0x2, v13  }
0x155: {  	s1 =	sadd.s32 $0x2, s1;
	v13 =	vor.u32 v6, v16;
	v6 =	vadd.s32 v15, v14;
	[tilespmem:v17+s7+$0x0] =	vst.idx.add.f32.msk $0xffff, v1;
	v8 =	vand.u32 $0xFFFFFF80, v7  }
0x156: {  	_ =	sdelay $0x2  }
0x157: {  	v12 =	vadd.s32 $0x2, v12  }
0x158: {  	[tilespmem:v13+s7+$0x0] =	vst.idx.add.f32.msk $0xffff, v1;
	v14 =	vand.u32 $0xFFFFFF80, v12  }
0x159: {  	v57 =	vld [tilespmem:s26+$0x10];
	v12 =	vand.u32 $0x7F, v12;
	v56 =	vadd.s32 s29, v14  }
0x15a: {  	v12 =	vor.u32 v12, v56;
	_ =	sdelay $0x3  }
0x15b: {  	v58 =	vadd.s32 $0x2, v57  }
0x15c: {  	v14 =	vand.u32 $0xFFFFFF80, v58;
	[tilespmem:v12+s7+$0x0] =	vst.idx.add.f32.msk $0xffff, v1  }
0x15d: {  	v14 =	vadd.s32 s30, v14;
	v12 =	vand.u32 $0x7F, v58;
	v59 =	vld [tilespmem:s28+$0x10]  }
0x15e: {  	v12 =	vor.u32 v12, v14;
	_ =	sdelay $0x3  }
0x15f: {  	v13 =	vadd.s32 $0x2, v59  }
0x160: {  	[tilespmem:v12+s7+$0x0] =	vst.idx.add.f32.msk $0xffff, v1;
	v60 =	vand.u32 $0xFFFFFF80, v13  }
0x161: {  	v61 =	vand.u32 $0x7F, v13;
	v63 =	vld [tilespmem:s26+$0x20];
	v62 =	vadd.s32 s29, v60  }
0x162: {  	v12 =	vor.u32 v61, v62;
	_ =	sdelay $0x3  }
0x163: {  	v16 =	vadd.s32 $0x2, v63  }
0x164: {  	v17 =	vand.u32 $0xFFFFFF80, v16;
	[tilespmem:v12+s7+$0x0] =	vst.idx.add.f32.msk $0xffff, v1  }
0x165: {  	v13 =	vand.u32 $0x7F, v16;
	v12 =	vadd.s32 s30, v17;
	v18 =	vld [tilespmem:s28+$0x20]  }
0x166: {  	v12 =	vor.u32 v13, v12;
	_ =	sdelay $0x3  }
0x167: {  	v19 =	vadd.s32 $0x2, v18  }
0x168: {  	[tilespmem:v12+s7+$0x0] =	vst.idx.add.f32.msk $0xffff, v1;
	v14 =	vand.u32 $0xFFFFFF80, v19  }
0x169: {  	v20 =	vand.u32 $0x7F, v19;
	v22 =	vld [tilespmem:s26+$0x30];
	v21 =	vadd.s32 s29, v14  }
0x16a: {  	v12 =	vor.u32 v20, v21;
	_ =	sdelay $0x3  }
0x16b: {  	v23 =	vadd.s32 $0x2, v22  }
0x16c: {  	v24 =	vand.u32 $0xFFFFFF80, v23;
	[tilespmem:v12+s7+$0x0] =	vst.idx.add.f32.msk $0xffff, v1  }
0x16d: {  	v13 =	vand.u32 $0x7F, v23;
	v12 =	vadd.s32 s30, v24;
	v25 =	vld [tilespmem:s28+$0x30]  }
0x16e: {  	v12 =	vor.u32 v13, v12;
	_ =	sdelay $0x1  }
0x16f: {  	v11 =	vadd.s32 $0x2, v11  }
0x170: {  	v29 =	vand.u32 $0xFFFFFF80, v11  }
0x171: {  	v26 =	vld [tilespmem:s24+$0x40];
	v11 =	vand.u32 $0x7F, v11;
	v30 =	vadd.s32 s23, v29;
	v14 =	vadd.s32 $0x2, v25  }
0x172: {  	v11 =	vor.u32 v11, v30;
	[tilespmem:v12+s7+$0x0] =	vst.idx.add.f32.msk $0xffff, v1;
	v15 =	vand.u32 $0xFFFFFF80, v14  }
0x173: {  	v27 =	vand.u32 $0x7F, v14;
	v16 =	vld [tilespmem:s26+$0x40];
	v28 =	vadd.s32 s29, v15  }
0x174: {  	v12 =	vor.u32 v27, v28;
	_ =	sdelay $0x1  }
0x175: {  	v13 =	vadd.s32 $0x2, v26  }
0x176: {  	[tilespmem:v11+s7+$0x0] =	vst.idx.add.f32.msk $0xffff, v1;
	v31 =	vand.u32 $0xFFFFFF80, v13  }
0x177: {  	v37 =	vld [tilespmem:s22+$0x50];
	v13 =	vand.u32 $0x7F, v13;
	v14 =	vadd.s32 s25, v31;
	v32 =	vadd.s32 $0x2, v16  }
0x178: {  	v13 =	vor.u32 v13, v14;
	v34 =	vand.u32 $0xFFFFFF80, v32;
	[tilespmem:v12+s7+$0x0] =	vst.idx.add.f32.msk $0xffff, v1  }
0x179: {  	v35 =	vand.u32 $0x7F, v32;
	v36 =	vadd.s32 s30, v34;
	v33 =	vld [tilespmem:s28+$0x40]  }
0x17a: {  	v11 =	vor.u32 v35, v36;
	_ =	sdelay $0x2  }
0x17b: {  	v15 =	vadd.s32 $0x2, v37;
	[tilespmem:v13+s7+$0x0] =	vst.idx.add.f32.msk $0xffff, v1  }
0x17c: {  	v40 =	vand.u32 $0xFFFFFF80, v15;
	v38 =	vld [tilespmem:s24+$0x50];
	v39 =	vadd.s32 $0x2, v33  }
0x17d: {  	v15 =	vand.u32 $0x7F, v15;
	[tilespmem:v11+s7+$0x0] =	vst.idx.add.f32.msk $0xffff, v1;
	v11 =	vadd.s32 s23, v40;
	v14 =	vand.u32 $0xFFFFFF80, v39  }
0x17e: {  	v13 =	vand.u32 $0x7F, v39;
	v11 =	vor.u32 v15, v11;
	v14 =	vadd.s32 s29, v14  }
0x17f: {  	v13 =	vor.u32 v13, v14  }
0x180: {  	v41 =	vld [tilespmem:s26+$0x50];
	_ =	sdelay $0x1  }
0x181: {  	v12 =	vadd.s32 $0x2, v38  }
0x182: {  	v42 =	vand.u32 $0xFFFFFF80, v12;
	[tilespmem:v11+s7+$0x0] =	vst.idx.add.f32.msk $0xffff, v1  }
0x183: {  	v12 =	vand.u32 $0x7F, v12;
	v15 =	vadd.s32 s25, v42;
	[tilespmem:v13+s7+$0x0] =	vst.idx.add.f32.msk $0xffff, v1  }
0x184: {  	v12 =	vor.u32 v12, v15;
	v14 =	vadd.s32 $0x2, v41;
	v44 =	vld [tilespmem:s28+$0x50]  }
0x185: {  	v43 =	vand.u32 $0xFFFFFF80, v14;
	v46 =	vld [tilespmem:s22+$0x60]  }
0x186: {  	v45 =	vand.u32 $0x7F, v14;
	v13 =	vadd.s32 s30, v43  }
0x187: {  	v11 =	vor.u32 v45, v13;
	_ =	sdelay $0x1  }
0x188: {  	[tilespmem:v12+s7+$0x0] =	vst.idx.add.f32.msk $0xffff, v1;
	v47 =	vadd.s32 $0x2, v44  }
0x189: {  	v12 =	vld [tilespmem:s24+$0x60];
	v14 =	vadd.s32 $0x2, v46;
	v15 =	vand.u32 $0xFFFFFF80, v47  }
0x18a: {  	v49 =	vand.u32 $0xFFFFFF80, v14;
	v13 =	vand.u32 $0x7F, v47;
	v48 =	vadd.s32 s29, v15  }
0x18b: {  	v51 =	vand.u32 $0x7F, v14;
	[tilespmem:v11+s7+$0x0] =	vst.idx.add.f32.msk $0xffff, v1;
	v52 =	vadd.s32 s23, v49;
	v11 =	vor.u32 v13, v48  }
0x18c: {  	v13 =	vor.u32 v51, v52  }
0x18d: {  	v50 =	vld [tilespmem:s26+$0x60]  }
0x18e: {  	v12 =	vadd.s32 $0x2, v12  }
0x18f: {  	v54 =	vld [tilespmem:s20+$0x70];
	v53 =	vand.u32 $0xFFFFFF80, v12  }
0x190: {  	v12 =	vand.u32 $0x7F, v12;
	v14 =	vadd.s32 s25, v53;
	[tilespmem:v11+s7+$0x0] =	vst.idx.add.f32.msk $0xffff, v1  }
0x191: {  	v12 =	vor.u32 v12, v14;
	[tilespmem:v13+s7+$0x0] =	vst.idx.add.f32.msk $0xffff, v1  }
0x192: {  	v55 =	vadd.s32 $0x2, v50;
	v57 =	vld [tilespmem:s28+$0x60]  }
0x193: {  	v56 =	vand.u32 $0xFFFFFF80, v55;
	v59 =	vld [tilespmem:s22+$0x70]  }
0x194: {  	v58 =	vand.u32 $0x7F, v55;
	v11 =	vadd.s32 s30, v56  }
0x195: {  	v60 =	vadd.s32 $0x2, v54;
	v11 =	vor.u32 v58, v11  }
0x196: {  	v61 =	vand.u32 $0xFFFFFF80, v60;
	[tilespmem:v12+s7+$0x0] =	vst.idx.add.f32.msk $0xffff, v1  }
0x197: {  	v12 =	vadd.s32 s19, v61;
	v62 =	vld [tilespmem:s24+$0x70];
	v13 =	vand.u32 $0x7F, v60;
	v16 =	vadd.s32 $0x2, v57  }
0x198: {  	v12 =	vor.u32 v13, v12;
	v14 =	vadd.s32 $0x2, v59;
	v63 =	vand.u32 $0xFFFFFF80, v16  }
0x199: {  	v16 =	vand.u32 $0x7F, v16;
	v21 =	vand.u32 $0xFFFFFF80, v14;
	v20 =	vadd.s32 s29, v63  }
0x19a: {  	[tilespmem:v11+s7+$0x0] =	vst.idx.add.f32.msk $0xffff, v1;
	v14 =	vand.u32 $0x7F, v14;
	v13 =	vadd.s32 s23, v21;
	v11 =	vor.u32 v16, v20  }
0x19b: {  	v13 =	vor.u32 v14, v13  }
0x19c: {  	v15 =	vadd.s32 $0x2, v62;
	v17 =	vld [tilespmem:s26+$0x70]  }
0x19d: {  	v22 =	vand.u32 $0xFFFFFF80, v15;
	[tilespmem:v12+s7+$0x0] =	vst.idx.add.f32.msk $0xffff, v1  }
0x19e: {  	v23 =	vand.u32 $0x7F, v15;
	v24 =	vld [tilespmem:s20+$0x400];
	v14 =	vadd.s32 s25, v22  }
0x19f: {  	v10 =	vadd.s32 $0x2, v10;
	v12 =	vor.u32 v23, v14;
	[tilespmem:v11+s7+$0x0] =	vst.idx.add.f32.msk $0xffff, v1  }
0x1a0: {  	v29 =	vand.u32 $0xFFFFFF80, v10;
	[tilespmem:v13+s7+$0x0] =	vst.idx.add.f32.msk $0xffff, v1  }
0x1a1: {  	v10 =	vand.u32 $0x7F, v10;
	v31 =	vadd.s32 s17, v29;
	v25 =	vadd.s32 $0x2, v17;
	v27 =	vld [tilespmem:s28+$0x70]  }
0x1a2: {  	v10 =	vor.u32 v10, v31;
	v26 =	vand.u32 $0xFFFFFF80, v25;
	v30 =	vld [tilespmem:s22+$0x400]  }
0x1a3: {  	v28 =	vand.u32 $0x7F, v25;
	v11 =	vadd.s32 s30, v26  }
0x1a4: {  	v32 =	vadd.s32 $0x2, v24;
	v11 =	vor.u32 v28, v11;
	[tilespmem:v12+s7+$0x0] =	vst.idx.add.f32.msk $0xffff, v1  }
0x1a5: {  	v33 =	vand.u32 $0xFFFFFF80, v32;
	v34 =	vld [tilespmem:s24+$0x400]  }
0x1a6: {  	[tilespmem:v9+s7+$0x0] =	vst.idx.add.f32.msk $0xffff, v1;
	v14 =	vand.u32 $0x7F, v32;
	v12 =	vadd.s32 s19, v33;
	v35 =	vadd.s32 $0x2, v27  }
0x1a7: {  	[tilespmem:v10+s7+$0x0] =	vst.idx.add.f32.msk $0xffff, v1;
	v12 =	vor.u32 v14, v12;
	v37 =	vadd.s32 $0x2, v30;
	v36 =	vand.u32 $0xFFFFFF80, v35  }
0x1a8: {  	v43 =	vld [tilespmem:s18+$0x410];
	v38 =	vand.u32 $0x7F, v35;
	v39 =	vand.u32 $0xFFFFFF80, v37;
	v14 =	vadd.s32 s29, v36  }
0x1a9: {  	[tilespmem:v11+s7+$0x0] =	vst.idx.add.f32.msk $0xffff, v1;
	v41 =	vand.u32 $0x7F, v37;
	v42 =	vadd.s32 s23, v39;
	v11 =	vor.u32 v38, v14  }
0x1aa: {  	v40 =	vld [tilespmem:s26+$0x400];
	v13 =	vadd.s32 $0x2, v34;
	v10 =	vor.u32 v41, v42  }
0x1ab: {  	v58 =	vld [tilespmem:s15+$0x420];
	v44 =	vand.u32 $0xFFFFFF80, v13  }
0x1ac: {  	[tilespmem:v12+s7+$0x0] =	vst.idx.add.f32.msk $0xffff, v1;
	v13 =	vand.u32 $0x7F, v13;
	v45 =	vadd.s32 s25, v44  }
0x1ad: {  	v46 =	vld [tilespmem:s20+$0x410];
	v12 =	vor.u32 v13, v45  }
0x1ae: {  	[tilespmem:v11+s7+$0x0] =	vst.idx.add.f32.msk $0xffff, v1  }
0x1af: {  	v8 =	vadd.s32 s14, v8;
	v47 =	vadd.s32 $0x2, v40;
	[tilespmem:v10+s7+$0x0] =	vst.idx.add.f32.msk $0xffff, v1  }
0x1b0: {  	v7 =	vand.u32 $0x7F, v7;
	v15 =	vadd.s32 $0x2, v43;
	v48 =	vand.u32 $0xFFFFFF80, v47;
	v49 =	vld [tilespmem:s28+$0x400]  }
0x1b1: {  	v51 =	vand.u32 $0xFFFFFF80, v15;
	v50 =	vand.u32 $0x7F, v47;
	v11 =	vadd.s32 s30, v48;
	v52 =	vld [tilespmem:s22+$0x410]  }
0x1b2: {  	v53 =	vand.u32 $0x7F, v15;
	v13 =	vadd.s32 s17, v51;
	v10 =	vor.u32 v50, v11;
	[tilespmem:v12+s7+$0x0] =	vst.idx.add.f32.msk $0xffff, v1  }
0x1b3: {  	v15 =	vadd.s32 $0x2, v58;
	v14 =	vadd.s32 $0x2, v46;
	v11 =	vor.u32 v53, v13;
	v55 =	vld [tilespmem:s24+$0x410]  }
0x1b4: {  	v7 =	vor.u32 v7, v8;
	v26 =	vand.u32 $0xFFFFFF80, v15;
	v54 =	vand.u32 $0xFFFFFF80, v14  }
0x1b5: {  	v28 =	vand.u32 $0x7F, v15;
	v56 =	vand.u32 $0x7F, v14;
	v12 =	vadd.s32 s19, v54  }
0x1b6: {  	[tilespmem:v4+s7+$0x0] =	vst.idx.add.f32.msk vm0, v1;
	v9 =	vor.u32 v56, v12;
	v57 =	vadd.s32 $0x2, v49;
	v60 =	vadd.s32 $0x2, v52  }
0x1b7: {  	[tilespmem:v10+s7+$0x0] =	vst.idx.add.f32.msk $0xffff, v1;
	v59 =	vand.u32 $0xFFFFFF80, v57;
	v62 =	vand.u32 $0x7F, v57;
	v63 =	vand.u32 $0xFFFFFF80, v60  }
0x1b8: {  	[tilespmem:v11+s7+$0x0] =	vst.idx.add.f32.msk $0xffff, v1;
	v21 =	vand.u32 $0x7F, v60;
	v13 =	vadd.s32 $0x2, v55;
	v61 =	vadd.s32 s29, v59  }
0x1b9: {  	v20 =	vld [tilespmem:s26+$0x410];
	v22 =	vadd.s32 s23, v63;
	v24 =	vand.u32 $0xFFFFFF80, v13;
	v10 =	vor.u32 v62, v61  }
0x1ba: {  	v23 =	vld [tilespmem:s18+$0x420];
	v25 =	vand.u32 $0x7F, v13;
	v13 =	vadd.s32 s13, v26;
	v11 =	vor.u32 v21, v22  }
0x1bb: {  	[tilespmem:v7+s7+$0x0] =	vst.idx.add.f32.msk vm0, v1;
	v30 =	vor.u32 v28, v13  }
0x1bc: {  	[tilespmem:v9+s7+$0x0] =	vst.idx.add.f32.msk $0xffff, v1  }
0x1bd: {  	v27 =	vld [tilespmem:s20+$0x420]  }
0x1be: {  	v12 =	vadd.s32 s25, v24;
	v29 =	vadd.s32 $0x2, v20;
	[tilespmem:v10+s7+$0x0] =	vst.idx.add.f32.msk $0xffff, v1  }
0x1bf: {  	v9 =	vor.u32 v25, v12;
	v14 =	vadd.s32 $0x2, v23;
	v31 =	vand.u32 $0xFFFFFF80, v29;
	[tilespmem:v11+s7+$0x0] =	vst.idx.add.f32.msk $0xffff, v1  }
0x1c0: {  	v33 =	vand.u32 $0x7F, v29;
	v34 =	vand.u32 $0xFFFFFF80, v14;
	v12 =	vadd.s32 s30, v31;
	[tilespmem:v30+s7+$0x0] =	vst.idx.add.f32.msk $0xffff, v1  }
0x1c1: {  	v36 =	vand.u32 $0x7F, v14;
	v37 =	vadd.s32 s17, v34;
	v32 =	vld [tilespmem:s28+$0x410];
	v11 =	vor.u32 v33, v12  }
0x1c2: {  	v38 =	vadd.s32 $0x2, v27;
	v35 =	vld [tilespmem:s22+$0x420];
	v39 =	vor.u32 v36, v37  }
0x1c3: {  	v40 =	vand.u32 $0xFFFFFF80, v38;
	v43 =	vld [tilespmem:s15+$0x430]  }
0x1c4: {  	v42 =	vand.u32 $0x7F, v38;
	[tilespmem:v9+s7+$0x0] =	vst.idx.add.f32.msk $0xffff, v1;
	v12 =	vadd.s32 s19, v40  }
0x1c5: {  	v41 =	vld [tilespmem:s24+$0x420];
	v10 =	vor.u32 v42, v12  }
0x1c6: {  	[tilespmem:v11+s7+$0x0] =	vst.idx.add.f32.msk $0xffff, v1  }
0x1c7: {  	[tilespmem:v39+s7+$0x0] =	vst.idx.add.f32.msk $0xffff, v1  }
0x1c8: {  	v13 =	vadd.s32 $0x2, v32;
	v45 =	vadd.s32 $0x2, v35;
	v15 =	vadd.s32 $0x2, v43;
	v48 =	vld [tilespmem:s26+$0x420]  }
0x1c9: {  	v44 =	vand.u32 $0xFFFFFF80, v13;
	v46 =	vand.u32 $0x7F, v13;
	v47 =	vand.u32 $0xFFFFFF80, v45;
	v52 =	vld [tilespmem:s18+$0x430]  }
0x1ca: {  	v49 =	vand.u32 $0x7F, v45;
	v51 =	vadd.s32 $0x2, v41;
	[tilespmem:v10+s7+$0x0] =	vst.idx.add.f32.msk $0xffff, v1;
	v12 =	vadd.s32 s29, v44  }
0x1cb: {  	v55 =	vand.u32 $0xFFFFFF80, v15;
	v50 =	vadd.s32 s23, v47;
	v56 =	vld [tilespmem:s20+$0x430];
	v11 =	vor.u32 v46, v12  }
0x1cc: {  	v57 =	vand.u32 $0x7F, v15;
	v13 =	vadd.s32 s13, v55;
	v47 =	vld [tilespmem:s11+$0xFFFFFF80];
	v9 =	vor.u32 v49, v50  }
0x1cd: {  	v53 =	vand.u32 $0xFFFFFF80, v51;
	v54 =	vand.u32 $0x7F, v51;
	v51 =	vld [tilespmem:s11+$0xFFFFFF90];
	v59 =	vor.u32 v57, v13  }
0x1ce: {  	v55 =	vld [tilespmem:s10+$0x0]  }
0x1cf: {  	v12 =	vadd.s32 s25, v53;
	v53 =	vld [tilespmem:s11+$0xFFFFFFA0]  }
0x1d0: {  	[tilespmem:v11+s7+$0x0] =	vst.idx.add.f32.msk $0xffff, v1  }
0x1d1: {  	v14 =	vadd.s32 $0x2, v52;
	[tilespmem:v9+s7+$0x0] =	vst.idx.add.f32.msk $0xffff, v1  }
0x1d2: {  	v10 =	vor.u32 v54, v12;
	v58 =	vadd.s32 $0x2, v48;
	v63 =	vand.u32 $0xFFFFFF80, v14;
	[tilespmem:v59+s7+$0x0] =	vst.idx.add.f32.msk $0xffff, v1  }
0x1d3: {  	v6 =	vcvt.s32.f32 v6;
	v60 =	vand.u32 $0xFFFFFF80, v58;
	v22 =	vadd.s32 s17, v63;
	v63 =	vld [tilespmem:s10+$0x20]  }
0x1d4: {  	v62 =	vand.u32 $0x7F, v58;
	v12 =	vadd.s32 s30, v60;
	v61 =	vld [tilespmem:s28+$0x420]  }
0x1d5: {  	v3 =	vsel vm4, v3, v6;
	v21 =	vand.u32 $0x7F, v14;
	v20 =	vld [tilespmem:s22+$0x430];
	v9 =	vor.u32 v62, v12  }
0x1d6: {  	v3 =	vsel vm5, v3, v5;
	v23 =	vadd.s32 $0x2, v56;
	v24 =	vor.u32 v21, v22;
	v28 =	vld [tilespmem:s15+$0x438]  }
0x1d7: {  	v18 =	vsel vm3, $0x0, v47;
	vm7 =	vgt.f32 v47, $0.0e+00;
	vm8 =	vgt.f32 v51, $0.0e+00;
	[tilespmem:v10+s7+$0x0] =	vst.idx.add.f32.msk $0xffff, v1  }
0x1d8: {  	v25 =	vand.u32 $0xFFFFFF80, v23;
	v27 =	vand.u32 $0x7F, v23;
	vm7 =	vmand vm7, vm1;
	v62 =	vld [tilespmem:s10+$0x10]  }
0x1d9: {  	vm9 =	vgt.f32 v53, $0.0e+00;
	v60 =	vsel vm3, $0x0, v55;
	v12 =	vadd.s32 s19, v25;
	v26 =	vld [tilespmem:s24+$0x430]  }
0x1da: {  	v21 =	vmpcnt.ones.xlane vm8;
	v11 =	vor.u32 v27, v12;
	vm10 =	vgt.f32 v63, $0.0e+00;
	[tilespmem:v9+s7+$0x0] =	vst.idx.add.f32.msk $0xffff, v1  }
0x1db: {  	v13 =	vadd.s32 $0x2, v61;
	v30 =	vadd.s32 $0x2, v20;
	[tilespmem:v24+s7+$0x0] =	vst.idx.add.f32.msk $0xffff, v1;
	v54 =	vadd.s32 $0x2, v28  }
0x1dc: {  	v61 =	vmpcnt.ones.xlane vm7;
	vm7 =	vmand vm9, vm2;
	v29 =	vand.u32 $0xFFFFFF80, v13;
	v33 =	vld [tilespmem:s26+$0x430]  }
0x1dd: {  	v31 =	vand.u32 $0x7F, v13;
	v32 =	vand.u32 $0xFFFFFF80, v30;
	v37 =	vld [tilespmem:s18+$0x438];
	v12 =	vadd.s32 s29, v29  }
0x1de: {  	(xrf2) =	vadd.scan.msk.f32 $0xffff, v18;
	v34 =	vand.u32 $0x7F, v30;
	v35 =	vadd.s32 s23, v32;
	v9 =	vor.u32 v31, v12  }
0x1df: {  	vm12 =	vgt.f32 v62, $0.0e+00;
	v36 =	vadd.s32 $0x2, v26;
	v10 =	vor.u32 v34, v35  }
0x1e0: {  	(xrf2) =	vadd.scan.msk.f32 $0xffff, v60;
	vm13 =	vmand vm10, vm2;
	v56 =	vand.u32 $0xFFFFFF80, v54;
	v38 =	vand.u32 $0xFFFFFF80, v36  }
0x1e1: {  	[tilespmem:v11+s7+$0x0] =	vst.idx.add.f32.msk $0xffff, v1;
	v39 =	vand.u32 $0x7F, v36;
	v12 =	vadd.s32 s25, v38;
	v41 =	vadd.s32 $0x2, v33  }
0x1e2: {  	v40 =	vld [tilespmem:s20+$0x438];
	v11 =	vor.u32 v39, v12;
	v14 =	vadd.s32 $0x2, v37;
	v42 =	vand.u32 $0xFFFFFF80, v41  }
0x1e3: {  	v43 =	vand.u32 $0x7F, v41;
	v52 =	vand.u32 $0xFFFFFF80, v14;
	[tilespmem:v9+s7+$0x0] =	vst.idx.add.f32.msk $0xffff, v1;
	v8 =	vadd.s32 s30, v42  }
0x1e4: {  	v14 =	vand.u32 $0x7F, v14;
	[tilespmem:v10+s7+$0x0] =	vst.idx.add.f32.msk $0xffff, v1;
	v16 =	vadd.s32 s17, v52;
	v8 =	vor.u32 v43, v8  }
0x1e5: {  	v24 =	vmpcnt.ones.xlane vm7;
	vm7 =	vgt.f32 v55, $0.0e+00;
	v9 =	vld [tilespmem:s28+$0x430];
	v14 =	vor.u32 v14, v16  }
0x1e6: {  	v4 =	vand.u32 $0x7F, v54;
	v25 =	vadd.s32 v61, v21;
	vm15 =	vmand vm7, vm1;
	v44 =	vld [tilespmem:s22+$0x438]  }
0x1e7: {  	vm7 =	veq.s32 v2, $0x2;
	v32 =	vmpcnt.ones.xlane vm12;
	v6 =	vadd.s32 v24, v25;
	[tilespmem:v11+s7+$0x0] =	vst.idx.add.f32.msk $0xffff, v1  }
0x1e8: {  	v31 =	vmpcnt.ones.xlane vm15;
	v26, _, _ =	vpop (xrf2);
	v6 =	vcvt.s32.f32 v6;
	v16 =	vadd.s32 s13, v56;
	v45 =	vld [tilespmem:s24+$0x438]  }
0x1e9: {  	v34 =	vsel vm7, $0x0, v47;
	v17 =	vsub.f32 $2.000000000e+02, v26;
	v4 =	vor.u32 v4, v16;
	[tilespmem:v8+s7+$0x0] =	vst.idx.add.f32.msk $0xffff, v1  }
0x1ea: {  	v35 =	vmpcnt.ones.xlane vm13;
	v5 =	vsel vm4, v34, v6;
	v37, _, _ =	vpop (xrf2);
	v13 =	vadd.s32 $0x2, v40;
	[tilespmem:v14+s7+$0x0] =	vst.idx.add.f32.msk vm0, v1  }
0x1eb: {  	v36 =	vbroadcast v17, $0xF;
	v17 =	vsub.f32 $2.000000000e+02, v37;
	v57 =	vand.u32 $0xFFFFFF80, v13;
	v50 =	vld [tilespmem:s26+$0x438]  }
0x1ec: {  	v38 =	vand.u32 $0x7F, v13;
	v58 =	vadd.s32 s19, v57;
	v46 =	vadd.s32 $0x2, v9;
	v14 =	vld [tilespmem:s12+$0xFFFFFF80]  }
0x1ed: {  	v47 =	vbroadcast v17, $0xF;
	v12 =	vadd.s32 $0x2, v44;
	v48 =	vand.u32 $0xFFFFFF80, v46;
	v28 =	vld [tilespmem:s12+$0xFFFFFF90]  }
0x1ee: {  	v7 =	vand.u32 $0x7F, v46;
	v19 =	vand.u32 $0xFFFFFF80, v12;
	v10 =	vadd.s32 $0x2, v45;
	[tilespmem:v4+s7+$0x0] =	vst.idx.add.f32.msk vm0, v1  }
0x1ef: {  	v29 =	vand.u32 $0x7F, v12;
	v33 =	vld [tilespmem:s12+$0xFFFFFFA0];
	v12 =	vadd.s32 v31, v32;
	v46 =	vsel vm6, $0x0, v55  }
0x1f0: {  	v49 =	vadd.s32 s29, v48;
	v19 =	vadd.s32 s23, v19;
	v20 =	vand.u32 $0xFFFFFF80, v10;
	v30 =	vld [tilespmem:s11+$0x0]  }
0x1f1: {  	v9 =	vadd.s32 v35, v12;
	v10 =	vand.u32 $0x7F, v10;
	v7 =	vor.u32 v7, v49  }
0x1f2: {  	v43 =	vld [tilespmem:s11+$0x10];
	v20 =	vadd.s32 s25, v20;
	v4 =	vor.u32 v29, v19;
	v44 =	vcvt.s32.f32 v9  }
0x1f3: {  	v10 =	vor.u32 v10, v20;
	v11 =	vadd.s32 $0x2, v50;
	v27 =	vsel vm3, $0x0, v14  }
0x1f4: {  	vm14 =	vgt.f32 v14, $0.0e+00;
	vm15 =	vgt.f32 v28, $0.0e+00;
	vm12 =	vgt.f32 v33, $0.0e+00  }
0x1f5: {  	v49 =	vld [tilespmem:s11+$0x20];
	v53 =	vsel vm7, $0x0, v14;
	v22 =	vand.u32 $0xFFFFFF80, v11;
	v39 =	vsel vm3, $0x0, v30  }
0x1f6: {  	vm8 =	vmand vm14, vm1;
	v42 =	vmpcnt.ones.xlane vm15;
	vm13 =	vmand vm12, vm2;
	[tilespmem:v7+s7+$0x0] =	vst.idx.add.f32.msk $0xffff, v1  }
0x1f7: {  	vm6 =	vgt.f32 v30, $0.0e+00;
	vm14 =	vgt.f32 v43, $0.0e+00;
	v11 =	vand.u32 $0x7F, v11;
	[tilespmem:v4+s7+$0x0] =	vst.idx.add.f32.msk vm0, v1  }
0x1f8: {  	v22 =	vadd.s32 s30, v22;
	v7 =	vor.u32 v38, v58;
	v41 =	vmpcnt.ones.xlane vm8;
	v59 =	vld [tilespmem:s28+$0x438]  }
0x1f9: {  	(xrf2) =	vadd.scan.msk.f32 $0xffff, v27;
	v4 =	vsel vm5, v5, v36;
	v45 =	vmpcnt.ones.xlane vm13;
	v5 =	vsel vm4, v46, v44;
	v40 =	vld [tilespmem:s16+$0xFFFFFF80]  }
0x1fa: {  	(xrf2) =	vadd.scan.msk.f32 $0xffff, v39;
	vm6 =	vmand vm6, vm1;
	v55 =	vmpcnt.ones.xlane vm14;
	vm15 =	vgt.f32 v49, $0.0e+00;
	v56 =	vld [tilespmem:s16+$0xFFFFFF90]  }
0x1fb: {  	v54 =	vmpcnt.ones.xlane vm6;
	vm6 =	vmmov vm7;
	v57 =	vld [tilespmem:s16+$0xFFFFFFA0];
	v13 =	vadd.s32 v41, v42  }
0x1fc: {  	v5 =	vsel vm5, v5, v47;
	vm8 =	vmand vm15, vm2;
	[tilespmem:v10+s7+$0x0] =	vst.idx.add.f32.msk vm0, v1;
	v6 =	vadd.s32 v45, v13  }
0x1fd: {  	v11 =	vor.u32 v11, v22;
	v61 =	vmpcnt.ones.xlane vm8;
	v10 =	vld [tilespmem:s16+$0x0];
	v6 =	vcvt.s32.f32 v6  }
0x1fe: {  	v8 =	vsel vm6, $0x0, v30;
	v58 =	vadd.s32 v54, v55;
	[tilespmem:v7+s7+$0x0] =	vst.idx.add.f32.msk vm0, v1;
	v16 =	vadd.s32 $0x2, v59  }
0x1ff: {  	v51 =	vsel vm3, $0x0, v40;
	v52 =	vld [tilespmem:s12+$0x0];
	v6 =	vsel vm4, v53, v6;
	vm12 =	vgt.f32 v40, $0.0e+00  }
0x200: {  	vm14 =	vgt.f32 v56, $0.0e+00;
	vm15 =	vgt.f32 v57, $0.0e+00;
	v63 =	vld [tilespmem:s12+$0x10];
	v12 =	vsel vm7, $0x0, v40  }
0x201: {  	v22 =	vld [tilespmem:s12+$0x20];
	v23 =	vand.u32 $0xFFFFFF80, v16;
	vm13 =	vmand vm12, vm1;
	v21 =	vmpcnt.ones.xlane vm14  }
0x202: {  	[tilespmem:v11+s7+$0x0] =	vst.idx.add.f32.msk vm0, v1;
	vm12 =	vmand vm15, vm2;
	v25 =	vand.u32 $0x7F, v16;
	v62 =	vmpcnt.ones.xlane vm13  }
0x203: {  	v27 =	vld [tilespmem:s21+$0xFFFFFF80];
	v40 =	vsel vm3, $0x0, v10;
	v23 =	vadd.s32 s29, v23;
	v24 =	vmpcnt.ones.xlane vm12;
	v48, _, _ =	vpop (xrf2)  }
0x204: {  	v29 =	vld [tilespmem:s21+$0xFFFFFF90];
	(xrf2) =	vadd.scan.msk.f32 $0xffff, v51;
	v11 =	vor.u32 v25, v23;
	v50 =	vsub.f32 $2.000000000e+02, v48;
	v59, _, _ =	vpop (xrf2);
	v7 =	vadd.s32 v62, v21  }
0x205: {  	v60 =	vsel vm3, $0x0, v52;
	v14 =	vsub.f32 $2.000000000e+02, v59;
	v7 =	vadd.s32 v24, v7  }
0x206: {  	v30 =	vld [tilespmem:s21+$0xFFFFFFA0];
	vm13 =	vgt.f32 v52, $0.0e+00;
	vm14 =	vgt.f32 v63, $0.0e+00;
	vm15 =	vgt.f32 v22, $0.0e+00  }
0x207: {  	v39 =	vld [tilespmem:s16+$0x20];
	v13 =	vsel vm6, $0x0, v52;
	v9 =	vbroadcast v50, $0xF;
	(xrf2) =	vadd.scan.msk.f32 $0xffff, v60;
	v7 =	vcvt.s32.f32 v7  }
0x208: {  	vm8 =	vmand vm13, vm1;
	v33 =	vsel vm3, $0x0, v27;
	v34 =	vmpcnt.ones.xlane vm14  }
0x209: {  	v37 =	vld [tilespmem:s16+$0x10];
	vm12 =	vgt.f32 v27, $0.0e+00;
	vm13 =	vgt.f32 v29, $0.0e+00;
	vm14 =	vgt.f32 v10, $0.0e+00  }
0x20a: {  	v53 =	vsel vm7, $0x0, v27;
	v14 =	vbroadcast v14, $0xF;
	v31 =	vmpcnt.ones.xlane vm8;
	[tilespmem:v11+s7+$0x0] =	vst.idx.add.f32.msk vm0, v1  }
0x20b: {  	vm8 =	vmand vm15, vm2;
	vm15 =	vgt.f32 v30, $0.0e+00;
	v43 =	vmpcnt.ones.xlane vm13;
	v35 =	vld [tilespmem:s21+$0x0]  }
0x20c: {  	vm13 =	vgt.f32 v39, $0.0e+00;
	v6 =	vsel vm5, v6, v9;
	v9 =	vadd.s32 v61, v58  }
0x20d: {  	v7 =	vsel vm4, v12, v7;
	v36 =	vmpcnt.ones.xlane vm8;
	vm8 =	vmand vm12, vm1  }
0x20e: {  	vm12 =	vgt.f32 v37, $0.0e+00;
	vm10 =	vmand vm15, vm2;
	v58 =	vsel vm6, $0x0, v10;
	v26, _, _ =	vpop (xrf2);
	(xrf2) =	vadd.scan.msk.f32 $0xffff, v33  }
0x20f: {  	v9 =	vcvt.s32.f32 v9;
	v11 =	vadd.s32 v31, v34;
	v41 =	vmpcnt.ones.xlane vm8;
	(xrf2) =	vadd.scan.msk.f32 $0xffff, v40  }
0x210: {  	vm8 =	vmand vm14, vm1;
	v45 =	vld [tilespmem:s21+$0x10];
	v46 =	vmpcnt.ones.xlane vm12;
	v42 =	vsel vm3, $0x0, v35  }
0x211: {  	v47 =	vld [tilespmem:s21+$0x20];
	v48 =	vmpcnt.ones.xlane vm10;
	v11 =	vadd.s32 v36, v11;
	v44 =	vmpcnt.ones.xlane vm8;
	v32, _, _ =	vpop (xrf2);
	(xrf2) =	vadd.scan.msk.f32 $0xffff, v42  }
0x212: {  	vm8 =	vmand vm13, vm2;
	v8 =	vsel vm4, v8, v9;
	v11 =	vcvt.s32.f32 v11  }
0x213: {  	v49 =	vmpcnt.ones.xlane vm8;
	v9 =	vadd.s32 v41, v43;
	v8 =	vsel vm5, v8, v14  }
0x214: {  	v51 =	vadd.s32 v44, v46;
	v9 =	vadd.s32 v48, v9;
	v11 =	vsel vm4, v13, v11  }
0x215: {  	v12 =	vadd.s32 v49, v51;
	v9 =	vcvt.s32.f32 v9;
	v28 =	vsub.f32 $2.000000000e+02, v26  }
0x216: {  	vm7 =	vgt.f32 v35, $0.0e+00;
	vm14 =	vgt.f32 v45, $0.0e+00;
	vm15 =	vgt.f32 v47, $0.0e+00  }
0x217: {  	v59 =	vcvt.s32.f32 v12;
	vm7 =	vmand vm7, vm1;
	v55 =	vmpcnt.ones.xlane vm14  }
0x218: {  	[tilespmem:s9+$0x0] =	vst v3;
	v62 =	vsel vm6, $0x0, v35;
	v15 =	vbroadcast v28, $0xF;
	v54 =	vmpcnt.ones.xlane vm7;
	v50, _, _ =	vpop (xrf2)  }
0x219: {  	[tilespmem:s11+$0x0] =	vst v8;
	vm7 =	vmand vm15, vm2;
	v8 =	vsel vm4, v58, v59;
	v17 =	vsub.f32 $2.000000000e+02, v32;
	v3, _, _ =	vpop (xrf2)  }
0x21a: {  	[tilespmem:s11+$0xFFFFFF80] =	vst v4;
	v57 =	vmpcnt.ones.xlane vm7;
	v7 =	vsel vm5, v7, v15;
	v3 =	vsub.f32 $2.000000000e+02, v3  }
0x21b: {  	[tilespmem:s10+$0x0] =	vst v5;
	v5 =	vadd.s32 v54, v55;
	v38 =	vbroadcast v17, $0xF;
	v52 =	vsub.f32 $2.000000000e+02, v50;
	v60, _, _ =	vpop (xrf2)  }
0x21c: {  	[tilespmem:s12+$0xFFFFFF80] =	vst v6;
	v5 =	vadd.s32 v57, v5;
	v3 =	vbroadcast v3, $0xF;
	v61 =	vsub.f32 $2.000000000e+02, v60  }
0x21d: {  	[tilespmem:s16+$0xFFFFFF80] =	vst v7;
	v5 =	vcvt.s32.f32 v5;
	v11 =	vsel vm5, v11, v38;
	v56 =	vbroadcast v52, $0xF  }
0x21e: {  	v9 =	vsel vm4, v53, v9;
	[tilespmem:s12+$0x0] =	vst v11;
	v3 =	vsel vm5, v8, v3;
	v6 =	vbroadcast v61, $0xF  }
0x21f: {  	v63 =	vsel vm4, v62, v5;
	[tilespmem:s16+$0x0] =	vst v3;
	v3 =	vsel vm5, v9, v56  }
0x220: {  	s8 =	sadd.s32 $0x1, s8;
	[tilespmem:s21+$0xFFFFFF80] =	vst v3;
	v3 =	vsel vm5, v63, v6  }
0x221: {  	p0 =	sne.s32 s8, s5;
	[tilespmem:s21+$0x0] =	vst v3  }
.Ltmp1:
0x222: {  	s0 =	rddreg [dreg:$0x3];
	(pc) =	sbr.rel @p0 .LBB2_1-.Ltmp1, $4  }
0x223: {  	[hbm4b:s0+s2] =	stream.linear.scatter [tilespmem:s7], [sflag:$0x1], $0x4000, $0x38;
	[tilespmem:$0xC000] =	vst v63  }
0x224: {  	_ =	swait.ge [sflag:s6], $0x4000  }
0x225: {  	[sflag:s6] =	ssyncset.done $0x0  }
0x226: {  	[sflag:s6] =	ssyncadd.s32 $0xFFFFC000  }
0x227: {  	_ =	sfence.sel $0x180000  }
0x228: {  	[bflag:$0x0] =	sbarrier.arrive $0xFFFF  }
0x229: {  	_ =	strace $0x90000047  }
0x22a: {  	s0 =	stileid.u32;
	[bflag:$0x2] =	sbarrier.arrive $0xFFFF  }
0x22b: {  	p0 =	sne.s32 s0, $0x0;
	s0 =	rddreg [dreg:$0x1]  }
0x22c: {  	s0 =	sadd.s32 @!p0 $0x100000, s0  }
0x22d: {  	[sflag:s0] =	ssyncadd.tile.s32 @!p0 $0x1;
	_ =	shalt  }
.Lfunc_end2:
_tile_overlayer_lowered:
.L_overlay_start_2:
0x22e: {  	(tag) =	ssettag $0x2  }
0x22f: {  	s0 =	rddreg [dreg:$0x0];
	s2 =	stileid.u32  }
0x230: {  	s1 =	rddreg [dreg:$0x1];
	p0 =	sne.s32 s2, $0x0  }
0x231: {  	s3 =	rddreg [dreg:$0x2];
	[bflag:$0x3] =	sbarrier.arrive $0xFFFF;
	s2 =	simm.s32 @!p0 $0x1C01  }
0x232: {  	[timem:s3], [sflag:s2] =	dma.local @!p0 [hbm:s0], s1  }
0x233: {  	s0 =	simm.s32 @!p0 $0x1  }
0x234: {  	_ =	swait.ge @!p0 [sflag:s0], s1  }
0x235: {  	s1 =	ssub.s32 @!p0 $0x0, s1;
	[sflag:s0] =	ssyncset.done @!p0 $0x0  }
0x236: {  	[sflag:s0] =	ssyncadd.s32 @!p0 s1  }
0x237: {  	[bflag:$0x3] =	sbarrier.arrive $0xFFFF  }
0x238: {  	_ =	shalt  }

</sc_bundles>
